<compile_context>
chip_gen: v7x
topology: tpu7x:2x2x1
jax: 0.10.2.dev20260603
libtpu: 0.0.44.dev20260713+nightly
codegen_flags: <defaults>
</compile_context>

<pallas_src>
import functools

import jax
import jax.numpy as jnp
from jax import lax
from jax.experimental import pallas as pl
from jax.experimental.pallas import tpu as pltpu
from jax.experimental.pallas import tpu_sc as plsc

N_LEVELS = 256
VMIN, VMAX = -4.0, 4.0
Q_STEP = (VMAX - VMIN) / (N_LEVELS - 1)
INV_W = 1.0 / Q_STEP
BIAS = -(VMIN - Q_STEP / 2.0) * INV_W + 1.0

LANES = 16
NW = 32
NB = 259
TW = NB * LANES
TOTAL = 1 * 16 * 2048 * 2048
PER_TILE = TOTAL // NW
CHUNK = 32768
NCHUNK = PER_TILE // CHUNK
NPAIR = NCHUNK // 2
UNROLL = 16
SCALE = 1.0 / TOTAL

_mesh = plsc.VectorSubcoreMesh(core_axis_name="c", subcore_axis_name="s")


@functools.partial(
    pl.kernel,
    mesh=_mesh,
    out_type=jax.ShapeDtypeStruct((NW, TW), jnp.float32),
    scratch_types=[
        pltpu.VMEM((CHUNK,), jnp.float32),
        pltpu.VMEM((CHUNK,), jnp.float32),
        pltpu.VMEM((TW,), jnp.float32),
        pltpu.VMEM((TW,), jnp.float32),
        pltpu.VMEM((TW,), jnp.float32),
        pltpu.VMEM((TW,), jnp.float32),
        pltpu.SemaphoreType.DMA,
        pltpu.SemaphoreType.DMA,
    ],
    compiler_params=pltpu.CompilerParams(needs_layout_passes=False),
)
def _hist_sc(x_hbm, out_hbm, buf0, buf1, table, table2, table3, table4, sem0, sem1):
    wid = lax.axis_index("s") * 2 + lax.axis_index("c")
    base = wid * PER_TILE

    zeros16 = jnp.zeros((LANES,), jnp.float32)

    @plsc.parallel_loop(0, TW // LANES, unroll=4)
    def _zero(i):
        table[pl.ds(i * LANES, LANES)] = zeros16
        table2[pl.ds(i * LANES, LANES)] = zeros16
        table3[pl.ds(i * LANES, LANES)] = zeros16
        table4[pl.ds(i * LANES, LANES)] = zeros16

    lane_f = lax.iota(jnp.int32, LANES).astype(jnp.float32) * float(NB)
    bias_v = lane_f + BIAS
    lo_v = lane_f
    hi_v = lane_f + float(N_LEVELS + 1)
    ones16 = jnp.ones((LANES,), jnp.float32)

    def process(buf):
        @plsc.parallel_loop(0, CHUNK // (4 * LANES), unroll=UNROLL // 4)
        def _body(i):
            v0 = buf[pl.ds(i * 4 * LANES, LANES)]
            v1 = buf[pl.ds(i * 4 * LANES + LANES, LANES)]
            v2 = buf[pl.ds(i * 4 * LANES + 2 * LANES, LANES)]
            v3 = buf[pl.ds(i * 4 * LANES + 3 * LANES, LANES)]
            t0 = jnp.minimum(jnp.maximum(v0 * INV_W + bias_v, lo_v), hi_v)
            t1 = jnp.minimum(jnp.maximum(v1 * INV_W + bias_v, lo_v), hi_v)
            t2 = jnp.minimum(jnp.maximum(v2 * INV_W + bias_v, lo_v), hi_v)
            t3 = jnp.minimum(jnp.maximum(v3 * INV_W + bias_v, lo_v), hi_v)
            plsc.addupdate_scatter(table, [t0.astype(jnp.int32)], ones16)
            plsc.addupdate_scatter(table2, [t1.astype(jnp.int32)], ones16)
            plsc.addupdate_scatter(table3, [t2.astype(jnp.int32)], ones16)
            plsc.addupdate_scatter(table4, [t3.astype(jnp.int32)], ones16)

    def start(g, buf, sem):
        off = pl.multiple_of(base + g * CHUNK, CHUNK)
        return pltpu.async_copy(x_hbm.at[pl.ds(off, CHUNK)], buf, sem)

    def wait(buf, sem):
        pltpu.make_async_copy(x_hbm.at[pl.ds(base, CHUNK)], buf, sem).wait()

    start(0, buf0, sem0)
    start(1, buf1, sem1)

    def pair_body(p, c):
        g = p * 2
        wait(buf0, sem0)
        process(buf0)
        start(g + 2, buf0, sem0)
        wait(buf1, sem1)
        process(buf1)
        start(g + 3, buf1, sem1)
        return c

    lax.fori_loop(0, NPAIR - 1, pair_body, 0)

    wait(buf0, sem0)
    process(buf0)
    wait(buf1, sem1)
    process(buf1)

    @plsc.parallel_loop(0, TW // LANES, unroll=4)
    def _scale(i):
        s01 = table[pl.ds(i * LANES, LANES)] + table2[pl.ds(i * LANES, LANES)]
        s23 = table3[pl.ds(i * LANES, LANES)] + table4[pl.ds(i * LANES, LANES)]
        table[pl.ds(i * LANES, LANES)] = (s01 + s23) * SCALE

    pltpu.sync_copy(table, out_hbm.at[wid])


def kernel(x, bins_edges):
    parts = _hist_sc(x.reshape(TOTAL))
    density = jnp.sum(parts.reshape(NW, LANES, NB), axis=(0, 1))[1 : N_LEVELS + 1]
    return (x, density)

# --- scband reference (transcript-rebuilt; emitter-appended) ---
"""Pipeline reference for scband-bins-count-15212774162474 (READ-ONLY COPY).

The authoritative reference and input builder live on the scoring server;
editing this copy changes nothing except your own understanding.
"""

import jax, jax.numpy as jnp
import numpy as np

N_LEVELS = 256
VMIN, VMAX = -4.0, 4.0


def setup_inputs(seed: int = 0) -> dict:
    key = jax.random.key(seed)
    x = jax.random.normal(key, (1, 16, 2048, 2048), dtype=jnp.float32)
    q_step = (VMAX - VMIN) / (N_LEVELS - 1)
    bins_edges = jnp.linspace(VMIN - q_step / 2.0, VMAX + q_step / 2.0, N_LEVELS + 1, dtype=jnp.float32)
    return {"x": x, "bins_edges": bins_edges}


def reference(x, bins_edges):
    # Faithful to BinsCount.forward with mask=None and range given:
    # histogram of all elements of x against fixed bin edges, normalized by numel.
    # Forward returns x unchanged; density is a stored buffer (returned here to
    # keep the histogram computation live).
    counts, _ = jnp.histogram(x.ravel(), bins=bins_edges)
    density = counts.astype(jnp.float32) / x.size
    return (x, density)

if __name__ == "__main__":
    import jax
    _d = setup_inputs()
    print(jax.jit(kernel)(*tuple(_d.values())))

</pallas_src>

<mosaic_0001>
#map = affine_map<(d0, d1) -> (0)>
#map1 = affine_map<(d0, d1) -> (0, 0)>
module attributes {stable_mosaic.version = 14 : i64} {
  func.func @_hist_sc(%arg0: i32, %arg1: i32, %arg2: memref<67108864xf32, #tpu.memory_space<hbm>>, %arg3: memref<32x4144xf32, #tpu.memory_space<hbm>>, %arg4: memref<32768xf32, #tpu.memory_space<vmem>>, %arg5: memref<32768xf32, #tpu.memory_space<vmem>>, %arg6: memref<4144xf32, #tpu.memory_space<vmem>>, %arg7: memref<4144xf32, #tpu.memory_space<vmem>>, %arg8: memref<4144xf32, #tpu.memory_space<vmem>>, %arg9: memref<4144xf32, #tpu.memory_space<vmem>>, %arg10: memref<!tpu.dma_semaphore, #tpu.memory_space<semaphore_mem>>, %arg11: memref<!tpu.dma_semaphore, #tpu.memory_space<semaphore_mem>>) attributes {dimension_semantics = [#tpu.dimension_semantics<core_parallel>, #tpu.dimension_semantics<subcore_parallel>], iteration_bounds = array<i64: 2, 16>, scalar_prefetch = 0 : i64, scratch_operands = 8 : i64, tpu.core_type = #tpu.core_type<sc_vector_subcore>, window_params = [{transform_indices = #map}, {transform_indices = #map1}]} {
    %mul3A = arith.constant 2 : i32
    %mul3A_0 = arith.muli %arg1, %mul3A : i32
    %add3A = arith.addi %mul3A_0, %arg0 : i32
    %mul3A_1 = arith.constant 2097152 : i32
    %mul3A_2 = arith.muli %add3A, %mul3A_1 : i32
    %broadcast_in_dim3A = arith.constant 0.000000e+00 : f32
    %broadcast_in_dim3A_3 = vector.broadcast %broadcast_in_dim3A : f32 to vector<16xf32>
    %parallel_loop3A = arith.constant 0 : i32
    %parallel_loop3A_4 = arith.constant 259 : i32
    %parallel_loop3A_5 = arith.constant 1 : i32
    scf.for %parallel_loop3A_42 = %parallel_loop3A to %parallel_loop3A_4 step %parallel_loop3A_5  : i32 {
      %parallel_loop3A_43 = arith.constant 16 : i32
      %parallel_loop3A_44 = arith.muli %parallel_loop3A_42, %parallel_loop3A_43 : i32
      %parallel_loop3A_45 = arith.index_cast %parallel_loop3A_44 : i32 to index
      %parallel_loop3A_46 = tpu.vector_load %arg6[%parallel_loop3A_45] {strides = array<i32>} : memref<4144xf32, #tpu.memory_space<vmem>>, vector<16xf32>,
      tpu.vector_store %arg6[%parallel_loop3A_45], %broadcast_in_dim3A_3 {strides = array<i32>} : memref<4144xf32, #tpu.memory_space<vmem>>, vector<16xf32>,
      %parallel_loop3A_47 = arith.constant 16 : i32
      %parallel_loop3A_48 = arith.muli %parallel_loop3A_42, %parallel_loop3A_47 : i32
      %parallel_loop3A_49 = arith.index_cast %parallel_loop3A_48 : i32 to index
      %parallel_loop3A_50 = tpu.vector_load %arg7[%parallel_loop3A_49] {strides = array<i32>} : memref<4144xf32, #tpu.memory_space<vmem>>, vector<16xf32>,
      tpu.vector_store %arg7[%parallel_loop3A_49], %broadcast_in_dim3A_3 {strides = array<i32>} : memref<4144xf32, #tpu.memory_space<vmem>>, vector<16xf32>,
      %parallel_loop3A_51 = arith.constant 16 : i32
      %parallel_loop3A_52 = arith.muli %parallel_loop3A_42, %parallel_loop3A_51 : i32
      %parallel_loop3A_53 = arith.index_cast %parallel_loop3A_52 : i32 to index
      %parallel_loop3A_54 = tpu.vector_load %arg8[%parallel_loop3A_53] {strides = array<i32>} : memref<4144xf32, #tpu.memory_space<vmem>>, vector<16xf32>,
      tpu.vector_store %arg8[%parallel_loop3A_53], %broadcast_in_dim3A_3 {strides = array<i32>} : memref<4144xf32, #tpu.memory_space<vmem>>, vector<16xf32>,
      %parallel_loop3A_55 = arith.constant 16 : i32
      %parallel_loop3A_56 = arith.muli %parallel_loop3A_42, %parallel_loop3A_55 : i32
      %parallel_loop3A_57 = arith.index_cast %parallel_loop3A_56 : i32 to index
      %parallel_loop3A_58 = tpu.vector_load %arg9[%parallel_loop3A_57] {strides = array<i32>} : memref<4144xf32, #tpu.memory_space<vmem>>, vector<16xf32>,
      tpu.vector_store %arg9[%parallel_loop3A_57], %broadcast_in_dim3A_3 {strides = array<i32>} : memref<4144xf32, #tpu.memory_space<vmem>>, vector<16xf32>,
    } {sc.loop_unroll_factor = 4 : i64, sc.parallel_access}
    %iota3A = tpu.iota {dimensions = array<i32: 0>} : vector<16xi32>
    %convert_element_type3A = arith.sitofp %iota3A : vector<16xi32> to vector<16xf32>
    %mul3A_6 = arith.constant 2.590000e+02 : f32
    %mul3A_7 = vector.broadcast %mul3A_6 : f32 to vector<16xf32>
    %mul3A_8 = arith.mulf %convert_element_type3A, %mul3A_7 : vector<16xf32>
    %add3A_9 = arith.constant 1.290000e+02 : f32
    %add3A_10 = vector.broadcast %add3A_9 : f32 to vector<16xf32>
    %add3A_11 = arith.addf %mul3A_8, %add3A_10 : vector<16xf32>
    %add3A_12 = arith.constant 2.570000e+02 : f32
    %add3A_13 = vector.broadcast %add3A_12 : f32 to vector<16xf32>
    %add3A_14 = arith.addf %mul3A_8, %add3A_13 : vector<16xf32>
    %broadcast_in_dim3A_15 = arith.constant 1.000000e+00 : f32
    %broadcast_in_dim3A_16 = vector.broadcast %broadcast_in_dim3A_15 : f32 to vector<16xf32>
    %add3A_17 = arith.constant 0 : i32
    %add3A_18 = arith.addi %mul3A_2, %add3A_17 : i32
    %multiple_of3A = tpu.assume_multiple %add3A_18, 32768 : i32
    %dma_start3A = tpu.memref_slice %arg2[%multiple_of3A] : memref<67108864xf32, #tpu.memory_space<hbm>> -> memref<32768xf32, #tpu.memory_space<hbm>>
    %dma_start3A_19 = tpu.memref_slice %arg2[%multiple_of3A] : memref<67108864xf32, #tpu.memory_space<hbm>> -> memref<32768xf32, #tpu.memory_space<hbm>>
    tpu.enqueue_dma source(%dma_start3A_19 : memref<32768xf32, #tpu.memory_space<hbm>>) target(%arg4 : memref<32768xf32, #tpu.memory_space<vmem>>) target_semaphore(%arg10 : memref<!tpu.dma_semaphore, #tpu.memory_space<semaphore_mem>>)
    %add3A_20 = arith.constant 32768 : i32
    %add3A_21 = arith.addi %mul3A_2, %add3A_20 : i32
    %multiple_of3A_22 = tpu.assume_multiple %add3A_21, 32768 : i32
    %dma_start3A_23 = tpu.memref_slice %arg2[%multiple_of3A_22] : memref<67108864xf32, #tpu.memory_space<hbm>> -> memref<32768xf32, #tpu.memory_space<hbm>>
    %dma_start3A_24 = tpu.memref_slice %arg2[%multiple_of3A_22] : memref<67108864xf32, #tpu.memory_space<hbm>> -> memref<32768xf32, #tpu.memory_space<hbm>>
    tpu.enqueue_dma source(%dma_start3A_24 : memref<32768xf32, #tpu.memory_space<hbm>>) target(%arg5 : memref<32768xf32, #tpu.memory_space<vmem>>) target_semaphore(%arg11 : memref<!tpu.dma_semaphore, #tpu.memory_space<semaphore_mem>>)
    %scan3A = arith.constant 0 : i32
    %scan3A_25 = arith.constant 0 : i32
    %scan3A_26 = arith.constant 31 : i32
    %scan3A_27 = arith.addi %scan3A_25, %scan3A_26 : i32
    %scan3A_28 = arith.constant 1 : i32
    scf.for %scan3A_42 = %scan3A_25 to %scan3A_27 step %scan3A_28  : i32 {
      %mul3A_43 = arith.constant 2 : i32
      %mul3A_44 = arith.muli %scan3A_42, %mul3A_43 : i32
      %dma_wait3A_45 = tpu.memref_slice %arg2[%mul3A_2] : memref<67108864xf32, #tpu.memory_space<hbm>> -> memref<32768xf32, #tpu.memory_space<hbm>>
      %dma_wait3A_46 = tpu.memref_slice %arg2[%mul3A_2] : memref<67108864xf32, #tpu.memory_space<hbm>> -> memref<32768xf32, #tpu.memory_space<hbm>>
      tpu.wait_dma2 semaphore(%arg10 : memref<!tpu.dma_semaphore, #tpu.memory_space<semaphore_mem>>) src(%dma_wait3A_46 : memref<32768xf32, #tpu.memory_space<hbm>>) dst(%arg4 : memref<32768xf32, #tpu.memory_space<vmem>>)
      %parallel_loop3A_47 = arith.constant 0 : i32
      %parallel_loop3A_48 = arith.constant 512 : i32
      %parallel_loop3A_49 = arith.constant 1 : i32
      scf.for %parallel_loop3A_71 = %parallel_loop3A_47 to %parallel_loop3A_48 step %parallel_loop3A_49  : i32 {
        %parallel_loop3A_72 = arith.constant 4 : i32
        %parallel_loop3A_73 = arith.muli %parallel_loop3A_71, %parallel_loop3A_72 : i32
        %parallel_loop3A_74 = arith.constant 16 : i32
        %parallel_loop3A_75 = arith.muli %parallel_loop3A_73, %parallel_loop3A_74 : i32
        %parallel_loop3A_76 = arith.index_cast %parallel_loop3A_75 : i32 to index
        %parallel_loop3A_77 = tpu.vector_load %arg4[%parallel_loop3A_76] {strides = array<i32>} : memref<32768xf32, #tpu.memory_space<vmem>>, vector<16xf32>,
        %parallel_loop3A_78 = arith.constant 4 : i32
        %parallel_loop3A_79 = arith.muli %parallel_loop3A_71, %parallel_loop3A_78 : i32
        %parallel_loop3A_80 = arith.constant 16 : i32
        %parallel_loop3A_81 = arith.muli %parallel_loop3A_79, %parallel_loop3A_80 : i32
        %parallel_loop3A_82 = arith.constant 16 : i32
        %parallel_loop3A_83 = arith.addi %parallel_loop3A_81, %parallel_loop3A_82 : i32
        %parallel_loop3A_84 = arith.index_cast %parallel_loop3A_83 : i32 to index
        %parallel_loop3A_85 = tpu.vector_load %arg4[%parallel_loop3A_84] {strides = array<i32>} : memref<32768xf32, #tpu.memory_space<vmem>>, vector<16xf32>,
        %parallel_loop3A_86 = arith.constant 4 : i32
        %parallel_loop3A_87 = arith.muli %parallel_loop3A_71, %parallel_loop3A_86 : i32
        %parallel_loop3A_88 = arith.constant 16 : i32
        %parallel_loop3A_89 = arith.muli %parallel_loop3A_87, %parallel_loop3A_88 : i32
        %parallel_loop3A_90 = arith.constant 32 : i32
        %parallel_loop3A_91 = arith.addi %parallel_loop3A_89, %parallel_loop3A_90 : i32
        %parallel_loop3A_92 = arith.index_cast %parallel_loop3A_91 : i32 to index
        %parallel_loop3A_93 = tpu.vector_load %arg4[%parallel_loop3A_92] {strides = array<i32>} : memref<32768xf32, #tpu.memory_space<vmem>>, vector<16xf32>,
        %parallel_loop3A_94 = arith.constant 4 : i32
        %parallel_loop3A_95 = arith.muli %parallel_loop3A_71, %parallel_loop3A_94 : i32
        %parallel_loop3A_96 = arith.constant 16 : i32
        %parallel_loop3A_97 = arith.muli %parallel_loop3A_95, %parallel_loop3A_96 : i32
        %parallel_loop3A_98 = arith.constant 48 : i32
        %parallel_loop3A_99 = arith.addi %parallel_loop3A_97, %parallel_loop3A_98 : i32
        %parallel_loop3A_100 = arith.index_cast %parallel_loop3A_99 : i32 to index
        %parallel_loop3A_101 = tpu.vector_load %arg4[%parallel_loop3A_100] {strides = array<i32>} : memref<32768xf32, #tpu.memory_space<vmem>>, vector<16xf32>,
        %parallel_loop3A_102 = arith.constant 3.187500e+01 : f32
        %parallel_loop3A_103 = vector.broadcast %parallel_loop3A_102 : f32 to vector<16xf32>
        %parallel_loop3A_104 = arith.mulf %parallel_loop3A_77, %parallel_loop3A_103 : vector<16xf32>
        %parallel_loop3A_105 = arith.addf %parallel_loop3A_104, %add3A_11 : vector<16xf32>
        %parallel_loop3A_106 = arith.maximumf %parallel_loop3A_105, %mul3A_8 : vector<16xf32>
        %parallel_loop3A_107 = arith.minimumf %parallel_loop3A_106, %add3A_14 : vector<16xf32>
        %parallel_loop3A_108 = arith.constant 3.187500e+01 : f32
        %parallel_loop3A_109 = vector.broadcast %parallel_loop3A_108 : f32 to vector<16xf32>
        %parallel_loop3A_110 = arith.mulf %parallel_loop3A_85, %parallel_loop3A_109 : vector<16xf32>
        %parallel_loop3A_111 = arith.addf %parallel_loop3A_110, %add3A_11 : vector<16xf32>
        %parallel_loop3A_112 = arith.maximumf %parallel_loop3A_111, %mul3A_8 : vector<16xf32>
        %parallel_loop3A_113 = arith.minimumf %parallel_loop3A_112, %add3A_14 : vector<16xf32>
        %parallel_loop3A_114 = arith.constant 3.187500e+01 : f32
        %parallel_loop3A_115 = vector.broadcast %parallel_loop3A_114 : f32 to vector<16xf32>
        %parallel_loop3A_116 = arith.mulf %parallel_loop3A_93, %parallel_loop3A_115 : vector<16xf32>
        %parallel_loop3A_117 = arith.addf %parallel_loop3A_116, %add3A_11 : vector<16xf32>
        %parallel_loop3A_118 = arith.maximumf %parallel_loop3A_117, %mul3A_8 : vector<16xf32>
        %parallel_loop3A_119 = arith.minimumf %parallel_loop3A_118, %add3A_14 : vector<16xf32>
        %parallel_loop3A_120 = arith.constant 3.187500e+01 : f32
        %parallel_loop3A_121 = vector.broadcast %parallel_loop3A_120 : f32 to vector<16xf32>
        %parallel_loop3A_122 = arith.mulf %parallel_loop3A_101, %parallel_loop3A_121 : vector<16xf32>
        %parallel_loop3A_123 = arith.addf %parallel_loop3A_122, %add3A_11 : vector<16xf32>
        %parallel_loop3A_124 = arith.maximumf %parallel_loop3A_123, %mul3A_8 : vector<16xf32>
        %parallel_loop3A_125 = arith.minimumf %parallel_loop3A_124, %add3A_14 : vector<16xf32>
        %parallel_loop3A_126 = arith.fptosi %parallel_loop3A_107 : vector<16xf32> to vector<16xi32>
        tpu.vector_store_idx %arg6[%parallel_loop3A_126], %broadcast_in_dim3A_16 {add = true} : memref<4144xf32, #tpu.memory_space<vmem>>[vector<16xi32>], vector<16xf32>,
        %parallel_loop3A_127 = arith.fptosi %parallel_loop3A_113 : vector<16xf32> to vector<16xi32>
        tpu.vector_store_idx %arg7[%parallel_loop3A_127], %broadcast_in_dim3A_16 {add = true} : memref<4144xf32, #tpu.memory_space<vmem>>[vector<16xi32>], vector<16xf32>,
        %parallel_loop3A_128 = arith.fptosi %parallel_loop3A_119 : vector<16xf32> to vector<16xi32>
        tpu.vector_store_idx %arg8[%parallel_loop3A_128], %broadcast_in_dim3A_16 {add = true} : memref<4144xf32, #tpu.memory_space<vmem>>[vector<16xi32>], vector<16xf32>,
        %parallel_loop3A_129 = arith.fptosi %parallel_loop3A_125 : vector<16xf32> to vector<16xi32>
        tpu.vector_store_idx %arg9[%parallel_loop3A_129], %broadcast_in_dim3A_16 {add = true} : memref<4144xf32, #tpu.memory_space<vmem>>[vector<16xi32>], vector<16xf32>,
      } {sc.loop_unroll_factor = 4 : i64, sc.parallel_access}
      %add3A_50 = arith.constant 2 : i32
      %add3A_51 = arith.addi %mul3A_44, %add3A_50 : i32
      %mul3A_52 = arith.constant 32768 : i32
      %mul3A_53 = arith.muli %add3A_51, %mul3A_52 : i32
      %add3A_54 = arith.addi %mul3A_2, %mul3A_53 : i32
      %multiple_of3A_55 = tpu.assume_multiple %add3A_54, 32768 : i32
      %dma_start3A_56 = tpu.memref_slice %arg2[%multiple_of3A_55] : memref<67108864xf32, #tpu.memory_space<hbm>> -> memref<32768xf32, #tpu.memory_space<hbm>>
      %dma_start3A_57 = tpu.memref_slice %arg2[%multiple_of3A_55] : memref<67108864xf32, #tpu.memory_space<hbm>> -> memref<32768xf32, #tpu.memory_space<hbm>>
      tpu.enqueue_dma source(%dma_start3A_57 : memref<32768xf32, #tpu.memory_space<hbm>>) target(%arg4 : memref<32768xf32, #tpu.memory_space<vmem>>) target_semaphore(%arg10 : memref<!tpu.dma_semaphore, #tpu.memory_space<semaphore_mem>>)
      %dma_wait3A_58 = tpu.memref_slice %arg2[%mul3A_2] : memref<67108864xf32, #tpu.memory_space<hbm>> -> memref<32768xf32, #tpu.memory_space<hbm>>
      %dma_wait3A_59 = tpu.memref_slice %arg2[%mul3A_2] : memref<67108864xf32, #tpu.memory_space<hbm>> -> memref<32768xf32, #tpu.memory_space<hbm>>
      tpu.wait_dma2 semaphore(%arg11 : memref<!tpu.dma_semaphore, #tpu.memory_space<semaphore_mem>>) src(%dma_wait3A_59 : memref<32768xf32, #tpu.memory_space<hbm>>) dst(%arg5 : memref<32768xf32, #tpu.memory_space<vmem>>)
      %parallel_loop3A_60 = arith.constant 0 : i32
      %parallel_loop3A_61 = arith.constant 512 : i32
      %parallel_loop3A_62 = arith.constant 1 : i32
      scf.for %parallel_loop3A_71 = %parallel_loop3A_60 to %parallel_loop3A_61 step %parallel_loop3A_62  : i32 {
        %parallel_loop3A_72 = arith.constant 4 : i32
        %parallel_loop3A_73 = arith.muli %parallel_loop3A_71, %parallel_loop3A_72 : i32
        %parallel_loop3A_74 = arith.constant 16 : i32
        %parallel_loop3A_75 = arith.muli %parallel_loop3A_73, %parallel_loop3A_74 : i32
        %parallel_loop3A_76 = arith.index_cast %parallel_loop3A_75 : i32 to index
        %parallel_loop3A_77 = tpu.vector_load %arg5[%parallel_loop3A_76] {strides = array<i32>} : memref<32768xf32, #tpu.memory_space<vmem>>, vector<16xf32>,
        %parallel_loop3A_78 = arith.constant 4 : i32
        %parallel_loop3A_79 = arith.muli %parallel_loop3A_71, %parallel_loop3A_78 : i32
        %parallel_loop3A_80 = arith.constant 16 : i32
        %parallel_loop3A_81 = arith.muli %parallel_loop3A_79, %parallel_loop3A_80 : i32
        %parallel_loop3A_82 = arith.constant 16 : i32
        %parallel_loop3A_83 = arith.addi %parallel_loop3A_81, %parallel_loop3A_82 : i32
        %parallel_loop3A_84 = arith.index_cast %parallel_loop3A_83 : i32 to index
        %parallel_loop3A_85 = tpu.vector_load %arg5[%parallel_loop3A_84] {strides = array<i32>} : memref<32768xf32, #tpu.memory_space<vmem>>, vector<16xf32>,
        %parallel_loop3A_86 = arith.constant 4 : i32
        %parallel_loop3A_87 = arith.muli %parallel_loop3A_71, %parallel_loop3A_86 : i32
        %parallel_loop3A_88 = arith.constant 16 : i32
        %parallel_loop3A_89 = arith.muli %parallel_loop3A_87, %parallel_loop3A_88 : i32
        %parallel_loop3A_90 = arith.constant 32 : i32
        %parallel_loop3A_91 = arith.addi %parallel_loop3A_89, %parallel_loop3A_90 : i32
        %parallel_loop3A_92 = arith.index_cast %parallel_loop3A_91 : i32 to index
        %parallel_loop3A_93 = tpu.vector_load %arg5[%parallel_loop3A_92] {strides = array<i32>} : memref<32768xf32, #tpu.memory_space<vmem>>, vector<16xf32>,
        %parallel_loop3A_94 = arith.constant 4 : i32
        %parallel_loop3A_95 = arith.muli %parallel_loop3A_71, %parallel_loop3A_94 : i32
        %parallel_loop3A_96 = arith.constant 16 : i32
        %parallel_loop3A_97 = arith.muli %parallel_loop3A_95, %parallel_loop3A_96 : i32
        %parallel_loop3A_98 = arith.constant 48 : i32
        %parallel_loop3A_99 = arith.addi %parallel_loop3A_97, %parallel_loop3A_98 : i32
        %parallel_loop3A_100 = arith.index_cast %parallel_loop3A_99 : i32 to index
        %parallel_loop3A_101 = tpu.vector_load %arg5[%parallel_loop3A_100] {strides = array<i32>} : memref<32768xf32, #tpu.memory_space<vmem>>, vector<16xf32>,
        %parallel_loop3A_102 = arith.constant 3.187500e+01 : f32
        %parallel_loop3A_103 = vector.broadcast %parallel_loop3A_102 : f32 to vector<16xf32>
        %parallel_loop3A_104 = arith.mulf %parallel_loop3A_77, %parallel_loop3A_103 : vector<16xf32>
        %parallel_loop3A_105 = arith.addf %parallel_loop3A_104, %add3A_11 : vector<16xf32>
        %parallel_loop3A_106 = arith.maximumf %parallel_loop3A_105, %mul3A_8 : vector<16xf32>
        %parallel_loop3A_107 = arith.minimumf %parallel_loop3A_106, %add3A_14 : vector<16xf32>
        %parallel_loop3A_108 = arith.constant 3.187500e+01 : f32
        %parallel_loop3A_109 = vector.broadcast %parallel_loop3A_108 : f32 to vector<16xf32>
        %parallel_loop3A_110 = arith.mulf %parallel_loop3A_85, %parallel_loop3A_109 : vector<16xf32>
        %parallel_loop3A_111 = arith.addf %parallel_loop3A_110, %add3A_11 : vector<16xf32>
        %parallel_loop3A_112 = arith.maximumf %parallel_loop3A_111, %mul3A_8 : vector<16xf32>
        %parallel_loop3A_113 = arith.minimumf %parallel_loop3A_112, %add3A_14 : vector<16xf32>
        %parallel_loop3A_114 = arith.constant 3.187500e+01 : f32
        %parallel_loop3A_115 = vector.broadcast %parallel_loop3A_114 : f32 to vector<16xf32>
        %parallel_loop3A_116 = arith.mulf %parallel_loop3A_93, %parallel_loop3A_115 : vector<16xf32>
        %parallel_loop3A_117 = arith.addf %parallel_loop3A_116, %add3A_11 : vector<16xf32>
        %parallel_loop3A_118 = arith.maximumf %parallel_loop3A_117, %mul3A_8 : vector<16xf32>
        %parallel_loop3A_119 = arith.minimumf %parallel_loop3A_118, %add3A_14 : vector<16xf32>
        %parallel_loop3A_120 = arith.constant 3.187500e+01 : f32
        %parallel_loop3A_121 = vector.broadcast %parallel_loop3A_120 : f32 to vector<16xf32>
        %parallel_loop3A_122 = arith.mulf %parallel_loop3A_101, %parallel_loop3A_121 : vector<16xf32>
        %parallel_loop3A_123 = arith.addf %parallel_loop3A_122, %add3A_11 : vector<16xf32>
        %parallel_loop3A_124 = arith.maximumf %parallel_loop3A_123, %mul3A_8 : vector<16xf32>
        %parallel_loop3A_125 = arith.minimumf %parallel_loop3A_124, %add3A_14 : vector<16xf32>
        %parallel_loop3A_126 = arith.fptosi %parallel_loop3A_107 : vector<16xf32> to vector<16xi32>
        tpu.vector_store_idx %arg6[%parallel_loop3A_126], %broadcast_in_dim3A_16 {add = true} : memref<4144xf32, #tpu.memory_space<vmem>>[vector<16xi32>], vector<16xf32>,
        %parallel_loop3A_127 = arith.fptosi %parallel_loop3A_113 : vector<16xf32> to vector<16xi32>
        tpu.vector_store_idx %arg7[%parallel_loop3A_127], %broadcast_in_dim3A_16 {add = true} : memref<4144xf32, #tpu.memory_space<vmem>>[vector<16xi32>], vector<16xf32>,
        %parallel_loop3A_128 = arith.fptosi %parallel_loop3A_119 : vector<16xf32> to vector<16xi32>
        tpu.vector_store_idx %arg8[%parallel_loop3A_128], %broadcast_in_dim3A_16 {add = true} : memref<4144xf32, #tpu.memory_space<vmem>>[vector<16xi32>], vector<16xf32>,
        %parallel_loop3A_129 = arith.fptosi %parallel_loop3A_125 : vector<16xf32> to vector<16xi32>
        tpu.vector_store_idx %arg9[%parallel_loop3A_129], %broadcast_in_dim3A_16 {add = true} : memref<4144xf32, #tpu.memory_space<vmem>>[vector<16xi32>], vector<16xf32>,
      } {sc.loop_unroll_factor = 4 : i64, sc.parallel_access}
      %add3A_63 = arith.constant 3 : i32
      %add3A_64 = arith.addi %mul3A_44, %add3A_63 : i32
      %mul3A_65 = arith.constant 32768 : i32
      %mul3A_66 = arith.muli %add3A_64, %mul3A_65 : i32
      %add3A_67 = arith.addi %mul3A_2, %mul3A_66 : i32
      %multiple_of3A_68 = tpu.assume_multiple %add3A_67, 32768 : i32
      %dma_start3A_69 = tpu.memref_slice %arg2[%multiple_of3A_68] : memref<67108864xf32, #tpu.memory_space<hbm>> -> memref<32768xf32, #tpu.memory_space<hbm>>
      %dma_start3A_70 = tpu.memref_slice %arg2[%multiple_of3A_68] : memref<67108864xf32, #tpu.memory_space<hbm>> -> memref<32768xf32, #tpu.memory_space<hbm>>
      tpu.enqueue_dma source(%dma_start3A_70 : memref<32768xf32, #tpu.memory_space<hbm>>) target(%arg5 : memref<32768xf32, #tpu.memory_space<vmem>>) target_semaphore(%arg11 : memref<!tpu.dma_semaphore, #tpu.memory_space<semaphore_mem>>)
    }
    %scan3A_29 = arith.constant 31 : i32
    %dma_wait3A = tpu.memref_slice %arg2[%mul3A_2] : memref<67108864xf32, #tpu.memory_space<hbm>> -> memref<32768xf32, #tpu.memory_space<hbm>>
    %dma_wait3A_30 = tpu.memref_slice %arg2[%mul3A_2] : memref<67108864xf32, #tpu.memory_space<hbm>> -> memref<32768xf32, #tpu.memory_space<hbm>>
    tpu.wait_dma2 semaphore(%arg10 : memref<!tpu.dma_semaphore, #tpu.memory_space<semaphore_mem>>) src(%dma_wait3A_30 : memref<32768xf32, #tpu.memory_space<hbm>>) dst(%arg4 : memref<32768xf32, #tpu.memory_space<vmem>>)
    %parallel_loop3A_31 = arith.constant 0 : i32
    %parallel_loop3A_32 = arith.constant 512 : i32
    %parallel_loop3A_33 = arith.constant 1 : i32
    scf.for %parallel_loop3A_42 = %parallel_loop3A_31 to %parallel_loop3A_32 step %parallel_loop3A_33  : i32 {
      %parallel_loop3A_43 = arith.constant 4 : i32
      %parallel_loop3A_44 = arith.muli %parallel_loop3A_42, %parallel_loop3A_43 : i32
      %parallel_loop3A_45 = arith.constant 16 : i32
      %parallel_loop3A_46 = arith.muli %parallel_loop3A_44, %parallel_loop3A_45 : i32
      %parallel_loop3A_47 = arith.index_cast %parallel_loop3A_46 : i32 to index
      %parallel_loop3A_48 = tpu.vector_load %arg4[%parallel_loop3A_47] {strides = array<i32>} : memref<32768xf32, #tpu.memory_space<vmem>>, vector<16xf32>,
      %parallel_loop3A_49 = arith.constant 4 : i32
      %parallel_loop3A_50 = arith.muli %parallel_loop3A_42, %parallel_loop3A_49 : i32
      %parallel_loop3A_51 = arith.constant 16 : i32
      %parallel_loop3A_52 = arith.muli %parallel_loop3A_50, %parallel_loop3A_51 : i32
      %parallel_loop3A_53 = arith.constant 16 : i32
      %parallel_loop3A_54 = arith.addi %parallel_loop3A_52, %parallel_loop3A_53 : i32
      %parallel_loop3A_55 = arith.index_cast %parallel_loop3A_54 : i32 to index
      %parallel_loop3A_56 = tpu.vector_load %arg4[%parallel_loop3A_55] {strides = array<i32>} : memref<32768xf32, #tpu.memory_space<vmem>>, vector<16xf32>,
      %parallel_loop3A_57 = arith.constant 4 : i32
      %parallel_loop3A_58 = arith.muli %parallel_loop3A_42, %parallel_loop3A_57 : i32
      %parallel_loop3A_59 = arith.constant 16 : i32
      %parallel_loop3A_60 = arith.muli %parallel_loop3A_58, %parallel_loop3A_59 : i32
      %parallel_loop3A_61 = arith.constant 32 : i32
      %parallel_loop3A_62 = arith.addi %parallel_loop3A_60, %parallel_loop3A_61 : i32
      %parallel_loop3A_63 = arith.index_cast %parallel_loop3A_62 : i32 to index
      %parallel_loop3A_64 = tpu.vector_load %arg4[%parallel_loop3A_63] {strides = array<i32>} : memref<32768xf32, #tpu.memory_space<vmem>>, vector<16xf32>,
      %parallel_loop3A_65 = arith.constant 4 : i32
      %parallel_loop3A_66 = arith.muli %parallel_loop3A_42, %parallel_loop3A_65 : i32
      %parallel_loop3A_67 = arith.constant 16 : i32
      %parallel_loop3A_68 = arith.muli %parallel_loop3A_66, %parallel_loop3A_67 : i32
      %parallel_loop3A_69 = arith.constant 48 : i32
      %parallel_loop3A_70 = arith.addi %parallel_loop3A_68, %parallel_loop3A_69 : i32
      %parallel_loop3A_71 = arith.index_cast %parallel_loop3A_70 : i32 to index
      %parallel_loop3A_72 = tpu.vector_load %arg4[%parallel_loop3A_71] {strides = array<i32>} : memref<32768xf32, #tpu.memory_space<vmem>>, vector<16xf32>,
      %parallel_loop3A_73 = arith.constant 3.187500e+01 : f32
      %parallel_loop3A_74 = vector.broadcast %parallel_loop3A_73 : f32 to vector<16xf32>
      %parallel_loop3A_75 = arith.mulf %parallel_loop3A_48, %parallel_loop3A_74 : vector<16xf32>
      %parallel_loop3A_76 = arith.addf %parallel_loop3A_75, %add3A_11 : vector<16xf32>
      %parallel_loop3A_77 = arith.maximumf %parallel_loop3A_76, %mul3A_8 : vector<16xf32>
      %parallel_loop3A_78 = arith.minimumf %parallel_loop3A_77, %add3A_14 : vector<16xf32>
      %parallel_loop3A_79 = arith.constant 3.187500e+01 : f32
      %parallel_loop3A_80 = vector.broadcast %parallel_loop3A_79 : f32 to vector<16xf32>
      %parallel_loop3A_81 = arith.mulf %parallel_loop3A_56, %parallel_loop3A_80 : vector<16xf32>
      %parallel_loop3A_82 = arith.addf %parallel_loop3A_81, %add3A_11 : vector<16xf32>
      %parallel_loop3A_83 = arith.maximumf %parallel_loop3A_82, %mul3A_8 : vector<16xf32>
      %parallel_loop3A_84 = arith.minimumf %parallel_loop3A_83, %add3A_14 : vector<16xf32>
      %parallel_loop3A_85 = arith.constant 3.187500e+01 : f32
      %parallel_loop3A_86 = vector.broadcast %parallel_loop3A_85 : f32 to vector<16xf32>
      %parallel_loop3A_87 = arith.mulf %parallel_loop3A_64, %parallel_loop3A_86 : vector<16xf32>
      %parallel_loop3A_88 = arith.addf %parallel_loop3A_87, %add3A_11 : vector<16xf32>
      %parallel_loop3A_89 = arith.maximumf %parallel_loop3A_88, %mul3A_8 : vector<16xf32>
      %parallel_loop3A_90 = arith.minimumf %parallel_loop3A_89, %add3A_14 : vector<16xf32>
      %parallel_loop3A_91 = arith.constant 3.187500e+01 : f32
      %parallel_loop3A_92 = vector.broadcast %parallel_loop3A_91 : f32 to vector<16xf32>
      %parallel_loop3A_93 = arith.mulf %parallel_loop3A_72, %parallel_loop3A_92 : vector<16xf32>
      %parallel_loop3A_94 = arith.addf %parallel_loop3A_93, %add3A_11 : vector<16xf32>
      %parallel_loop3A_95 = arith.maximumf %parallel_loop3A_94, %mul3A_8 : vector<16xf32>
      %parallel_loop3A_96 = arith.minimumf %parallel_loop3A_95, %add3A_14 : vector<16xf32>
      %parallel_loop3A_97 = arith.fptosi %parallel_loop3A_78 : vector<16xf32> to vector<16xi32>
      tpu.vector_store_idx %arg6[%parallel_loop3A_97], %broadcast_in_dim3A_16 {add = true} : memref<4144xf32, #tpu.memory_space<vmem>>[vector<16xi32>], vector<16xf32>,
      %parallel_loop3A_98 = arith.fptosi %parallel_loop3A_84 : vector<16xf32> to vector<16xi32>
      tpu.vector_store_idx %arg7[%parallel_loop3A_98], %broadcast_in_dim3A_16 {add = true} : memref<4144xf32, #tpu.memory_space<vmem>>[vector<16xi32>], vector<16xf32>,
      %parallel_loop3A_99 = arith.fptosi %parallel_loop3A_90 : vector<16xf32> to vector<16xi32>
      tpu.vector_store_idx %arg8[%parallel_loop3A_99], %broadcast_in_dim3A_16 {add = true} : memref<4144xf32, #tpu.memory_space<vmem>>[vector<16xi32>], vector<16xf32>,
      %parallel_loop3A_100 = arith.fptosi %parallel_loop3A_96 : vector<16xf32> to vector<16xi32>
      tpu.vector_store_idx %arg9[%parallel_loop3A_100], %broadcast_in_dim3A_16 {add = true} : memref<4144xf32, #tpu.memory_space<vmem>>[vector<16xi32>], vector<16xf32>,
    } {sc.loop_unroll_factor = 4 : i64, sc.parallel_access}
    %dma_wait3A_34 = tpu.memref_slice %arg2[%mul3A_2] : memref<67108864xf32, #tpu.memory_space<hbm>> -> memref<32768xf32, #tpu.memory_space<hbm>>
    %dma_wait3A_35 = tpu.memref_slice %arg2[%mul3A_2] : memref<67108864xf32, #tpu.memory_space<hbm>> -> memref<32768xf32, #tpu.memory_space<hbm>>
    tpu.wait_dma2 semaphore(%arg11 : memref<!tpu.dma_semaphore, #tpu.memory_space<semaphore_mem>>) src(%dma_wait3A_35 : memref<32768xf32, #tpu.memory_space<hbm>>) dst(%arg5 : memref<32768xf32, #tpu.memory_space<vmem>>)
    %parallel_loop3A_36 = arith.constant 0 : i32
    %parallel_loop3A_37 = arith.constant 512 : i32
    %parallel_loop3A_38 = arith.constant 1 : i32
    scf.for %parallel_loop3A_42 = %parallel_loop3A_36 to %parallel_loop3A_37 step %parallel_loop3A_38  : i32 {
      %parallel_loop3A_43 = arith.constant 4 : i32
      %parallel_loop3A_44 = arith.muli %parallel_loop3A_42, %parallel_loop3A_43 : i32
      %parallel_loop3A_45 = arith.constant 16 : i32
      %parallel_loop3A_46 = arith.muli %parallel_loop3A_44, %parallel_loop3A_45 : i32
      %parallel_loop3A_47 = arith.index_cast %parallel_loop3A_46 : i32 to index
      %parallel_loop3A_48 = tpu.vector_load %arg5[%parallel_loop3A_47] {strides = array<i32>} : memref<32768xf32, #tpu.memory_space<vmem>>, vector<16xf32>,
      %parallel_loop3A_49 = arith.constant 4 : i32
      %parallel_loop3A_50 = arith.muli %parallel_loop3A_42, %parallel_loop3A_49 : i32
      %parallel_loop3A_51 = arith.constant 16 : i32
      %parallel_loop3A_52 = arith.muli %parallel_loop3A_50, %parallel_loop3A_51 : i32
      %parallel_loop3A_53 = arith.constant 16 : i32
      %parallel_loop3A_54 = arith.addi %parallel_loop3A_52, %parallel_loop3A_53 : i32
      %parallel_loop3A_55 = arith.index_cast %parallel_loop3A_54 : i32 to index
      %parallel_loop3A_56 = tpu.vector_load %arg5[%parallel_loop3A_55] {strides = array<i32>} : memref<32768xf32, #tpu.memory_space<vmem>>, vector<16xf32>,
      %parallel_loop3A_57 = arith.constant 4 : i32
      %parallel_loop3A_58 = arith.muli %parallel_loop3A_42, %parallel_loop3A_57 : i32
      %parallel_loop3A_59 = arith.constant 16 : i32
      %parallel_loop3A_60 = arith.muli %parallel_loop3A_58, %parallel_loop3A_59 : i32
      %parallel_loop3A_61 = arith.constant 32 : i32
      %parallel_loop3A_62 = arith.addi %parallel_loop3A_60, %parallel_loop3A_61 : i32
      %parallel_loop3A_63 = arith.index_cast %parallel_loop3A_62 : i32 to index
      %parallel_loop3A_64 = tpu.vector_load %arg5[%parallel_loop3A_63] {strides = array<i32>} : memref<32768xf32, #tpu.memory_space<vmem>>, vector<16xf32>,
      %parallel_loop3A_65 = arith.constant 4 : i32
      %parallel_loop3A_66 = arith.muli %parallel_loop3A_42, %parallel_loop3A_65 : i32
      %parallel_loop3A_67 = arith.constant 16 : i32
      %parallel_loop3A_68 = arith.muli %parallel_loop3A_66, %parallel_loop3A_67 : i32
      %parallel_loop3A_69 = arith.constant 48 : i32
      %parallel_loop3A_70 = arith.addi %parallel_loop3A_68, %parallel_loop3A_69 : i32
      %parallel_loop3A_71 = arith.index_cast %parallel_loop3A_70 : i32 to index
      %parallel_loop3A_72 = tpu.vector_load %arg5[%parallel_loop3A_71] {strides = array<i32>} : memref<32768xf32, #tpu.memory_space<vmem>>, vector<16xf32>,
      %parallel_loop3A_73 = arith.constant 3.187500e+01 : f32
      %parallel_loop3A_74 = vector.broadcast %parallel_loop3A_73 : f32 to vector<16xf32>
      %parallel_loop3A_75 = arith.mulf %parallel_loop3A_48, %parallel_loop3A_74 : vector<16xf32>
      %parallel_loop3A_76 = arith.addf %parallel_loop3A_75, %add3A_11 : vector<16xf32>
      %parallel_loop3A_77 = arith.maximumf %parallel_loop3A_76, %mul3A_8 : vector<16xf32>
      %parallel_loop3A_78 = arith.minimumf %parallel_loop3A_77, %add3A_14 : vector<16xf32>
      %parallel_loop3A_79 = arith.constant 3.187500e+01 : f32
      %parallel_loop3A_80 = vector.broadcast %parallel_loop3A_79 : f32 to vector<16xf32>
      %parallel_loop3A_81 = arith.mulf %parallel_loop3A_56, %parallel_loop3A_80 : vector<16xf32>
      %parallel_loop3A_82 = arith.addf %parallel_loop3A_81, %add3A_11 : vector<16xf32>
      %parallel_loop3A_83 = arith.maximumf %parallel_loop3A_82, %mul3A_8 : vector<16xf32>
      %parallel_loop3A_84 = arith.minimumf %parallel_loop3A_83, %add3A_14 : vector<16xf32>
      %parallel_loop3A_85 = arith.constant 3.187500e+01 : f32
      %parallel_loop3A_86 = vector.broadcast %parallel_loop3A_85 : f32 to vector<16xf32>
      %parallel_loop3A_87 = arith.mulf %parallel_loop3A_64, %parallel_loop3A_86 : vector<16xf32>
      %parallel_loop3A_88 = arith.addf %parallel_loop3A_87, %add3A_11 : vector<16xf32>
      %parallel_loop3A_89 = arith.maximumf %parallel_loop3A_88, %mul3A_8 : vector<16xf32>
      %parallel_loop3A_90 = arith.minimumf %parallel_loop3A_89, %add3A_14 : vector<16xf32>
      %parallel_loop3A_91 = arith.constant 3.187500e+01 : f32
      %parallel_loop3A_92 = vector.broadcast %parallel_loop3A_91 : f32 to vector<16xf32>
      %parallel_loop3A_93 = arith.mulf %parallel_loop3A_72, %parallel_loop3A_92 : vector<16xf32>
      %parallel_loop3A_94 = arith.addf %parallel_loop3A_93, %add3A_11 : vector<16xf32>
      %parallel_loop3A_95 = arith.maximumf %parallel_loop3A_94, %mul3A_8 : vector<16xf32>
      %parallel_loop3A_96 = arith.minimumf %parallel_loop3A_95, %add3A_14 : vector<16xf32>
      %parallel_loop3A_97 = arith.fptosi %parallel_loop3A_78 : vector<16xf32> to vector<16xi32>
      tpu.vector_store_idx %arg6[%parallel_loop3A_97], %broadcast_in_dim3A_16 {add = true} : memref<4144xf32, #tpu.memory_space<vmem>>[vector<16xi32>], vector<16xf32>,
      %parallel_loop3A_98 = arith.fptosi %parallel_loop3A_84 : vector<16xf32> to vector<16xi32>
      tpu.vector_store_idx %arg7[%parallel_loop3A_98], %broadcast_in_dim3A_16 {add = true} : memref<4144xf32, #tpu.memory_space<vmem>>[vector<16xi32>], vector<16xf32>,
      %parallel_loop3A_99 = arith.fptosi %parallel_loop3A_90 : vector<16xf32> to vector<16xi32>
      tpu.vector_store_idx %arg8[%parallel_loop3A_99], %broadcast_in_dim3A_16 {add = true} : memref<4144xf32, #tpu.memory_space<vmem>>[vector<16xi32>], vector<16xf32>,
      %parallel_loop3A_100 = arith.fptosi %parallel_loop3A_96 : vector<16xf32> to vector<16xi32>
      tpu.vector_store_idx %arg9[%parallel_loop3A_100], %broadcast_in_dim3A_16 {add = true} : memref<4144xf32, #tpu.memory_space<vmem>>[vector<16xi32>], vector<16xf32>,
    } {sc.loop_unroll_factor = 4 : i64, sc.parallel_access}
    %parallel_loop3A_39 = arith.constant 0 : i32
    %parallel_loop3A_40 = arith.constant 259 : i32
    %parallel_loop3A_41 = arith.constant 1 : i32
    scf.for %parallel_loop3A_42 = %parallel_loop3A_39 to %parallel_loop3A_40 step %parallel_loop3A_41  : i32 {
      %parallel_loop3A_43 = arith.constant 16 : i32
      %parallel_loop3A_44 = arith.muli %parallel_loop3A_42, %parallel_loop3A_43 : i32
      %parallel_loop3A_45 = arith.index_cast %parallel_loop3A_44 : i32 to index
      %parallel_loop3A_46 = tpu.vector_load %arg6[%parallel_loop3A_45] {strides = array<i32>} : memref<4144xf32, #tpu.memory_space<vmem>>, vector<16xf32>,
      %parallel_loop3A_47 = arith.constant 16 : i32
      %parallel_loop3A_48 = arith.muli %parallel_loop3A_42, %parallel_loop3A_47 : i32
      %parallel_loop3A_49 = arith.index_cast %parallel_loop3A_48 : i32 to index
      %parallel_loop3A_50 = tpu.vector_load %arg7[%parallel_loop3A_49] {strides = array<i32>} : memref<4144xf32, #tpu.memory_space<vmem>>, vector<16xf32>,
      %parallel_loop3A_51 = arith.addf %parallel_loop3A_46, %parallel_loop3A_50 : vector<16xf32>
      %parallel_loop3A_52 = arith.constant 16 : i32
      %parallel_loop3A_53 = arith.muli %parallel_loop3A_42, %parallel_loop3A_52 : i32
      %parallel_loop3A_54 = arith.index_cast %parallel_loop3A_53 : i32 to index
      %parallel_loop3A_55 = tpu.vector_load %arg8[%parallel_loop3A_54] {strides = array<i32>} : memref<4144xf32, #tpu.memory_space<vmem>>, vector<16xf32>,
      %parallel_loop3A_56 = arith.constant 16 : i32
      %parallel_loop3A_57 = arith.muli %parallel_loop3A_42, %parallel_loop3A_56 : i32
      %parallel_loop3A_58 = arith.index_cast %parallel_loop3A_57 : i32 to index
      %parallel_loop3A_59 = tpu.vector_load %arg9[%parallel_loop3A_58] {strides = array<i32>} : memref<4144xf32, #tpu.memory_space<vmem>>, vector<16xf32>,
      %parallel_loop3A_60 = arith.addf %parallel_loop3A_55, %parallel_loop3A_59 : vector<16xf32>
      %parallel_loop3A_61 = arith.addf %parallel_loop3A_51, %parallel_loop3A_60 : vector<16xf32>
      %parallel_loop3A_62 = arith.constant 1.49011612E-8 : f32
      %parallel_loop3A_63 = vector.broadcast %parallel_loop3A_62 : f32 to vector<16xf32>
      %parallel_loop3A_64 = arith.mulf %parallel_loop3A_61, %parallel_loop3A_63 : vector<16xf32>
      %parallel_loop3A_65 = arith.constant 16 : i32
      %parallel_loop3A_66 = arith.muli %parallel_loop3A_42, %parallel_loop3A_65 : i32
      %parallel_loop3A_67 = arith.index_cast %parallel_loop3A_66 : i32 to index
      %parallel_loop3A_68 = tpu.vector_load %arg6[%parallel_loop3A_67] {strides = array<i32>} : memref<4144xf32, #tpu.memory_space<vmem>>, vector<16xf32>,
      tpu.vector_store %arg6[%parallel_loop3A_67], %parallel_loop3A_64 {strides = array<i32>} : memref<4144xf32, #tpu.memory_space<vmem>>, vector<16xf32>,
    } {sc.loop_unroll_factor = 4 : i64, sc.parallel_access}
    "tpu.region"() ({
      %run_scoped3A = tpu.sem_alloc : memref<!tpu.dma_semaphore, #tpu.memory_space<semaphore_mem>>
      %dma_start3A_42 = arith.constant 0 : i32
      %dma_start3A_43 = tpu.memref_slice %arg3[%add3A, %dma_start3A_42] : memref<32x4144xf32, #tpu.memory_space<hbm>> -> memref<1x4144xf32, #tpu.memory_space<hbm>>
      %dma_start3A_44 = tpu.memref_squeeze %dma_start3A_43 : memref<1x4144xf32, #tpu.memory_space<hbm>> -> memref<4144xf32, #tpu.memory_space<hbm>>
      %dma_start3A_45 = arith.constant 0 : i32
      %dma_start3A_46 = tpu.memref_slice %arg3[%add3A, %dma_start3A_45] : memref<32x4144xf32, #tpu.memory_space<hbm>> -> memref<1x4144xf32, #tpu.memory_space<hbm>>
      %dma_start3A_47 = tpu.memref_squeeze %dma_start3A_46 : memref<1x4144xf32, #tpu.memory_space<hbm>> -> memref<4144xf32, #tpu.memory_space<hbm>>
      tpu.enqueue_dma source(%arg6 : memref<4144xf32, #tpu.memory_space<vmem>>) target(%dma_start3A_47 : memref<4144xf32, #tpu.memory_space<hbm>>) target_semaphore(%run_scoped3A : memref<!tpu.dma_semaphore, #tpu.memory_space<semaphore_mem>>)
      %dma_wait3A_48 = arith.constant 0 : i32
      %dma_wait3A_49 = tpu.memref_slice %arg3[%add3A, %dma_wait3A_48] : memref<32x4144xf32, #tpu.memory_space<hbm>> -> memref<1x4144xf32, #tpu.memory_space<hbm>>
      %dma_wait3A_50 = tpu.memref_squeeze %dma_wait3A_49 : memref<1x4144xf32, #tpu.memory_space<hbm>> -> memref<4144xf32, #tpu.memory_space<hbm>>
      %dma_wait3A_51 = arith.constant 0 : i32
      %dma_wait3A_52 = tpu.memref_slice %arg3[%add3A, %dma_wait3A_51] : memref<32x4144xf32, #tpu.memory_space<hbm>> -> memref<1x4144xf32, #tpu.memory_space<hbm>>
      %dma_wait3A_53 = tpu.memref_squeeze %dma_wait3A_52 : memref<1x4144xf32, #tpu.memory_space<hbm>> -> memref<4144xf32, #tpu.memory_space<hbm>>
      tpu.wait_dma2 semaphore(%run_scoped3A : memref<!tpu.dma_semaphore, #tpu.memory_space<semaphore_mem>>) src(%arg6 : memref<4144xf32, #tpu.memory_space<vmem>>) dst(%dma_wait3A_53 : memref<4144xf32, #tpu.memory_space<hbm>>)
      tpu.yield
    }) : () -> ()
    return
  }
}

</mosaic_0001>

<sc_bundles>
// kernel: kernel.3.cloned.1.call-start
scs
__scs_entry_jumppad:
0x0: {  	(pc) =	sbr.rel $0x88, $3  }
0x1: {  	(tag) =	ssettag $0x0;
	lr =	simm.s32 $0x1  }
0x2: {  	[smem:$0x3FA0] =	sst lr;
	_ =	strace $0xD0000000  }
0x3: {  	_ = 	snop  }
0x4: {  	_ = 	snop  }
0x5: {  	_ = 	snop  }
0x6: {  	_ = 	snop  }
0x7: {  	_ = 	snop  }
__scs_overlays_trampoline_lowered:
0x8: {  	[smem:$0x3FAF] =	sst s0  }
0x9: {  	[smem:$0x3FB0] =	sst s1  }
0xa: {  	[smem:$0x3FB1] =	sst s2  }
0xb: {  	[smem:$0x3FB2] =	sst s3  }
0xc: {  	[smem:$0x3FB3] =	sst s4  }
0xd: {  	[smem:$0x3FB4] =	sst s5  }
0xe: {  	[smem:$0x3FB5] =	sst s6  }
0xf: {  	[smem:$0x3FB6] =	sst s7  }
0x10: {  	[smem:$0x3FB7] =	sst s8  }
0x11: {  	[smem:$0x3FB8] =	sst s9;
	s0 =	simm.s32 @!p0 $0x0  }
0x12: {  	s1 =	sld [smem:$0x3F9E];
	s0 =	simm.s32 @p0 $0x1  }
0x13: {  	[smem:$0x3FB9] =	sst s0;
	s0 =	simm.s32 @!p1 $0x0  }
0x14: {  	s2 =	sld [smem:$0x3F9D];
	s0 =	simm.s32 @p1 $0x1  }
0x15: {  	[smem:$0x3FBA] =	sst s0;
	s0 =	simm.s32 @!p2 $0x0  }
0x16: {  	s3 =	sld [smem:$0x3FDB];
	s0 =	simm.s32 @p2 $0x1  }
0x17: {  	s4 =	simm.s32 $0x1BF5;
	[smem:$0x3FBC] =	sst s0  }
0x18: {  	s0 =	sld [smem:$0x3F9F];
	_ =	swait.ge [sflag:s4], $0x0  }
0x19: {  	s7 =	sld [smem:$0x3FA0]  }
0x1a: {  	s8 =	sadd.s32 $0xFFFFE003, lr  }
0x1b: {  	s9 =	sadd.s32 $0xFFFFFEF7, lr;
	s5 =	simm.s32 $0xFFFFFFFF;
	p2 =	slt.u32 s8, $0xFFFFF086  }
0x1c: {  	p1 =	slt.u32 s9, $0xF7A;
	s5 =	simm.s32 @!p2 $0x0  }
0x1d: {  	s5 =	simm.s32 @p1 $0x1;
	p0 =	seq.s32 s7, s2  }
0x1e: {  	s7 =	smul.u32 @!p0 $0xF7A, s2;
	p2 =	seq.s32 @!p0 s5, $0x0  }
0x1f: {  	s9 =	smul.u32 $0xF7A, s1;
	s8 =	simm.s32 @!p0 $0x1BF5;
	p2 =	por !p2, p0  }
0x20: {  	[sflag:s8] =	ssyncset.s32 @!p0 $0xFFFFF086;
	s6 =	sadd.s32 @!p0 s3, s7;
	s7 =	simm.s32 @!p0 $0x108  }
0x21: {  	s3 =	sadd.s32 s3, s9;
	s6 =	sadd.s32 @!p0 $0x88, s6;
	s7 =	simm.s32 @p2 $0x1082  }
0x22: {  	[simem:s7], [sflag:s8] =	dma.local @!p0 [hbm:s6], $0xF7A  }
0x23: {  	s9 =	sor.u32 $0xD0000000, s2;
	s6 =	simm.s32 $0x108;
	_ =	swait.ge @!p0 [sflag:s8], $0x0  }
0x24: {  	s3 =	sadd.s32 $0x88, s3;
	s6 =	simm.s32 @!p1 $0x1082;
	[sflag:s4] =	ssyncset.s32 $0xFFFFF086  }
0x25: {  	[simem:s6], [sflag:s4] =	dma.local [hbm:s3], $0xF7A  }
0x26: {  	[smem:$0x3FA0] =	sst s1;
	(tag) =	ssettag s2;
	_ =	strace s9  }
0x27: {  	s1 =	sld [smem:$0x3FB0]  }
0x28: {  	s2 =	sld [smem:$0x3FB1]  }
0x29: {  	s4 =	sld [smem:$0x3FB3]  }
0x2a: {  	p0 =	seq.s32 s5, $0x0;
	s5 =	sld [smem:$0x3FB4]  }
0x2b: {  	s6 =	sld [smem:$0x3FB5]  }
0x2c: {  	s7 =	sld [smem:$0x3FB6]  }
0x2d: {  	s3 =	simm.s32 $0x108;
	s8 =	sld [smem:$0x3FB7]  }
0x2e: {  	s3 =	simm.s32 @!p0 $0x1082;
	s9 =	sld [smem:$0x3FB8]  }
0x2f: {  	lr =	sadd.s32 s0, s3;
	s0 =	sld [smem:$0x3FAF]  }
0x30: {  	s3 =	sld [smem:$0x3FB2]  }
0x31: {  	[smem:$0x3FBB] =	sst s10  }
0x32: {  	s10 =	sld [smem:$0x3FB9];
	_ =	sdelay $0x3  }
0x33: {  	p0 =	seq.s32 s10, $0x1;
	s10 =	sld [smem:$0x3FBB];
	_ =	sdelay $0x3  }
0x34: {  	[smem:$0x3FBB] =	sst s10  }
0x35: {  	s10 =	sld [smem:$0x3FBA];
	_ =	sdelay $0x3  }
0x36: {  	p1 =	seq.s32 s10, $0x1;
	s10 =	sld [smem:$0x3FBB];
	_ =	sdelay $0x3  }
0x37: {  	[smem:$0x3FBB] =	sst s10  }
0x38: {  	s10 =	sld [smem:$0x3FBC]  }
0x39: {  	_ = 	snop;
	(pc) =	sbr.ind lr, $3  }
0x3a: {  	_ = 	snop  }
0x3b: {  	_ = 	snop  }
0x3c: {  	p2 =	seq.s32 s10, $0x1;
	s10 =	sld [smem:$0x3FBB]  }
0x3d: {  	_ =	shalt  }
0x3e: {  	_ =	shalt  }
0x3f: {  	_ =	shalt  }
0x40: {  	_ =	shalt  }
0x41: {  	_ =	shalt  }
0x42: {  	_ =	shalt  }
0x43: {  	_ =	shalt  }
0x44: {  	_ =	shalt  }
0x45: {  	_ =	shalt  }
0x46: {  	_ =	shalt  }
0x47: {  	_ =	shalt  }
0x48: {  	_ =	shalt  }
0x49: {  	_ =	shalt  }
0x4a: {  	_ =	shalt  }
0x4b: {  	_ =	shalt  }
0x4c: {  	_ =	shalt  }
0x4d: {  	_ =	shalt  }
0x4e: {  	_ =	shalt  }
0x4f: {  	_ =	shalt  }
0x50: {  	_ =	shalt  }
0x51: {  	_ =	shalt  }
0x52: {  	_ =	shalt  }
0x53: {  	_ =	shalt  }
0x54: {  	_ =	shalt  }
0x55: {  	_ =	shalt  }
0x56: {  	_ =	shalt  }
0x57: {  	_ =	shalt  }
0x58: {  	_ =	shalt  }
0x59: {  	_ =	shalt  }
0x5a: {  	_ =	shalt  }
0x5b: {  	_ =	shalt  }
0x5c: {  	_ =	shalt  }
0x5d: {  	_ =	shalt  }
0x5e: {  	_ =	shalt  }
0x5f: {  	_ =	shalt  }
0x60: {  	_ =	shalt  }
0x61: {  	_ =	shalt  }
0x62: {  	_ =	shalt  }
0x63: {  	_ =	shalt  }
0x64: {  	_ =	shalt  }
0x65: {  	_ =	shalt  }
0x66: {  	_ =	shalt  }
0x67: {  	_ =	shalt  }
0x68: {  	_ =	shalt  }
0x69: {  	_ =	shalt  }
0x6a: {  	_ =	shalt  }
0x6b: {  	_ =	shalt  }
0x6c: {  	_ =	shalt  }
0x6d: {  	_ =	shalt  }
0x6e: {  	_ =	shalt  }
0x6f: {  	_ =	shalt  }
0x70: {  	_ =	shalt  }
0x71: {  	_ =	shalt  }
0x72: {  	_ =	shalt  }
0x73: {  	_ =	shalt  }
0x74: {  	_ =	shalt  }
0x75: {  	_ =	shalt  }
0x76: {  	_ =	shalt  }
0x77: {  	_ =	shalt  }
0x78: {  	_ =	shalt  }
0x79: {  	_ =	shalt  }
0x7a: {  	_ =	shalt  }
0x7b: {  	_ =	shalt  }
0x7c: {  	_ =	shalt  }
0x7d: {  	_ =	shalt  }
0x7e: {  	_ =	shalt  }
0x7f: {  	_ =	shalt  }
0x80: {  	_ =	shalt  }
0x81: {  	_ =	shalt  }
0x82: {  	_ =	shalt  }
0x83: {  	_ =	shalt  }
0x84: {  	_ =	shalt  }
0x85: {  	_ =	shalt  }
0x86: {  	_ =	shalt  }
0x87: {  	_ =	shalt  }
.Lfunc_end0:
.L_simem_size_0:
called_computation.1_lowered:
.L_overlay_start_0:
0x88: {  	s2 =	sld [smem:$0x3FD9]  }
0x89: {  	s3 =	sld [smem:$0x3FFE];
	_ =	sdelay $0x1  }
0x8a: {  	s1 =	srdreg.scid  }
0x8b: {  	s0 =	sand.u32 $0x1, s1  }
0x8c: {  	s14 =	sshll.u32 s0, $0xA;
	s2 =	sadd.s32 s3, s2  }
0x8d: {  	s2 =	sadd.s32 s2, s14  }
0x8e: {  	[smem:$0x3FC7] =	sst s2  }
0x8f: {  	_ = 	snop  }
0x90: {  	s2 =	sld [smem:$0x3FD0];
	_ =	sdelay $0x2  }
0x91: {  	s15 =	simm.s32 $0xA;
	s4 =	simm.s32 $0x10  }
0x92: {  	[smem:s4], [sflag:s15] =	dma.local [hbm:s2], $0x1  }
0x93: {  	_ =	swait.eq [sflag:s15], $0x1  }
0x94: {  	[sflag:s15] =	ssyncset.done $0x0  }
0x95: {  	[sflag:s15] =	ssyncadd.s32 $0xFFFFFFFF  }
0x96: {  	s16 =	sld [smem:$0x10];
	(tm) =	ssettm $0x1  }
0x97: {  	s17 =	sld [smem:$0x3FFB];
	_ =	sdelay $0x3  }
0x98: {  	_ =	strace s17  }
0x99: {  	s3 =	sld [smem:$0x3FFC];
	_ =	sdelay $0x3  }
0x9a: {  	_ =	strace s3  }
0x9b: {  	s3 =	sld [smem:$0x3FFD];
	_ =	sdelay $0x3  }
0x9c: {  	_ =	strace s3  }
0x9d: {  	_ =	strace $0x8FFFFFFF  }
0x9e: {  	s18 =	sld [smem:$0x3FDB];
	_ =	sdelay $0x1  }
0x9f: {  	s19 =	simm.s32 $_scs_section_size  }
0xa0: {  	s5 =	simm.s32 $_size__tile_overlayer_lowered;
	s6 =	simm.s32 $_tile_overlayer_lowered  }
0xa1: {  	s22 =	simm.s32 $0x1BFF;
	s21 =	sshll.u32 s6, $0x1;
	s3 =	sadd.s32 s19, s18  }
0xa2: {  	s7 =	simm.s32 $0x0;
	s20 =	sshll.u32 s5, $0x1;
	s5 =	sadd.s32 s21, s3  }
0xa3: {  	[timem:s7], [sflag:s22] =	dma.local [hbm:s5], s20  }
0xa4: {  	_ =	swait.ge [sflag:s22], s20  }
0xa5: {  	s4 =	ssub.s32 $0x0, s20;
	[sflag:s22] =	ssyncset.done $0x0  }
0xa6: {  	[sflag:s22] =	ssyncadd.s32 s4;
	_ =	sdelay $0x1  }
0xa7: {  	s23 =	simm.s32 $0x1B8B  }
0xa8: {  	_ =	swait.ge [sflag:s23], $0x1  }
0xa9: {  	[sflag:s23] =	ssyncset.done $0x0  }
0xaa: {  	s25 =	simm.s32 $0x1B8E;
	s24 =	sld [smem:$0x3FFE];
	[sflag:s23] =	ssyncadd.s32 $0xFFFFFFFF  }
0xab: {  	s26 =	simm.s32 $execute0_lowered;
	[smem:$0x3FD2] =	sst s25  }
0xac: {  	s5 =	sshll.u32 s26, $0x1;
	_ =	strace $0x80000049;
	[dreg:$0x1] =	wrdreg $0xFFFFFFFF  }
0xad: {  	s28 =	simm.s32 $_size_execute0_lowered;
	s3 =	sadd.s32 s3, s5;
	[dreg:$0x0] =	wrdreg $0x0  }
0xae: {  	s5 =	sshll.u32 s28, $0x1;
	[dreg:$0x2] =	wrdreg s3  }
0xaf: {  	[dreg:$0x3] =	wrdreg s5  }
0xb0: {  	[dreg:$0x4] =	wrdreg $0xC0  }
0xb1: {  	_ =	task [dreg:s7], $0x5FFFF  }
0xb2: {  	[dreg:$0x1] =	wrdreg $0xFFFFFFFF  }
0xb3: {  	[dreg:$0x0] =	wrdreg $0x60  }
0xb4: {  	[dreg:$0x2] =	wrdreg s16  }
0xb5: {  	[dreg:$0x3] =	wrdreg s24  }
0xb6: {  	[dreg:$0x4] =	wrdreg $0x9  }
0xb7: {  	_ =	task.clear_ibuf [dreg:s7], $0x5FFFF;
	_ =	strace $0x90000049  }
0xb8: {  	s29 =	simm.s32 $0x9;
	_ =	strace $0x8000004B  }
0xb9: {  	_ =	swait.ge [sflag:s29], $0x1  }
0xba: {  	[sflag:s29] =	ssyncadd.s32 $0xFFFFFFFF  }
0xbb: {  	_ =	strace $0x9000004B  }
0xbc: {  	_ =	sfence  }
0xbd: {  	s30 =	sld [smem:$0x0];
	_ =	sdelay $0x2  }
0xbe: {  	s31 =	sshll.u32 s1, $0xD;
	s1 =	sshrl.u32 s1, $0x2  }
0xbf: {  	s3 =	sand.u32 $0x4000, s31;
	s1 =	sadd.s32 s1, s30  }
0xc0: {  	s0 =	sor.u32 s3, s0;
	s1 =	sshll.u32 s1, $0x11  }
0xc1: {  	s0 =	sor.u32 s1, s0  }
0xc2: {  	s0 =	sadd.s32 $0x8F2B, s0  }
0xc3: {  	[sflag:s0] =	ssyncadd.remote.s32 $0x1  }
0xc4: {  	_ =	sfence.sel $0xFFFF  }
0xc5: {  	[dreg:$0x0] =	wrdreg $0xFFFFFFFF;
	(pc) =	sbr.abs _section_cstart, $3  }
0xc6: {  	[dreg:$0x1] =	wrdreg $0xFFFFFFFF  }
0xc7: {  	_ =	task.clear_ibuf [dreg:s7], $0x2FFFF;
	_ =	strace $0x9FFFFFFF  }
0xc8: {  	(tm) =	ssettm $0x7FFFFFFF  }
0xc9: {  	_ =	shalt  }
tec
execute0_lowered:
.L_overlay_start_1:
0x0: {  	(tag) =	ssettag $0x1  }
0x1: {  	v0 =	vimm.f32 $4.014000000e+03;
	vm2 =	vcmask $0x300  }
0x2: {  	vm5 =	vcmask $0x704;
	vm7 =	vcmask $0xB08;
	vm8 =	vcmask $0xF0C  }
0x3: {  	vm6 =	vcmask $0x1310;
	vm4 =	vcmask $0x1714;
	vm3 =	vcmask $0x1B18  }
0x4: {  	vm1 =	vcmask $0x1F1C;
	v2 =	vimm.f32 $3.885000000e+03;
	v3 =	vimm.f32 $4.142000000e+03  }
0x5: {  	vm0 =	vcmask $0x2320;
	vm10 =	vcmask $0x2724;
	vm11 =	vcmask $0x2B28  }
0x6: {  	vm12 =	vcmask $0x2F2C;
	vm13 =	vcmask $0x3330;
	vm14 =	vcmask $0x3734  }
0x7: {  	vm15 =	vcmask $0x3B38;
	v4 =	vimm.f32 $1.000000000e+00;
	v0 =	vsel vm2, $0x43010000, v0  }
0x8: {  	s0 =	rddreg [dreg:$0x0];
	v2 =	vsel vm2, $0x0, v2;
	v3 =	vsel vm2, $0x43808000, v3;
	v0 =	vsel vm5, $0x43C20000, v0  }
0x9: {  	s8 =	rddreg [dreg:$0x1];
	v2 =	vsel vm5, $0x43818000, v2;
	v3 =	vsel vm5, $0x44010000, v3;
	v0 =	vsel vm7, $0x4421C000, v0  }
0xa: {  	s1 =	rddreg [dreg:$0x2];
	v2 =	vsel vm7, $0x44018000, v2;
	v3 =	vsel vm7, $0x4441C000, v3;
	v0 =	vsel vm8, $0x44628000, v0  }
0xb: {  	s3 =	simm.s32 $0x0;
	s4 =	srdreg.scid;
	s2 =	stileid.u32;
	v2 =	vsel vm8, $0x44424000, v2;
	v3 =	vsel vm8, $0x44814000, v3;
	v0 =	vsel vm6, $0x4491A000, v0  }
0xc: {  	s11 =	simm.s32 $0x1;
	s12 =	simm.s32 $0x10000;
	s13 =	simm.s32 $0x11080;
	v2 =	vsel vm6, $0x44818000, v2;
	v3 =	vsel vm6, $0x44A1A000, v3;
	v1 =	vsel vm4, $0x44B20000, v0  }
0xd: {  	s14 =	simm.s32 $0x12100;
	s15 =	simm.s32 $0x13180;
	s16 =	simm.s32 $0x2;
	v0 =	vimm.f32 $0.0e+00;
	v2 =	vsel vm4, $0x44A1E000, v2;
	v3 =	vsel vm4, $0x44C20000, v3  }
0xe: {  	s17 =	simm.s32 $0x80;
	s18 =	simm.s32 $0x400;
	s19 =	simm.s32 $0x3;
	v1 =	vsel vm3, $0x44D26000, v1;
	v2 =	vsel vm3, $0x44C24000, v2;
	v3 =	vsel vm3, $0x44E26000, v3  }
0xf: {  	s20 =	simm.s32 $0x0;
	[smem:$0x7FF] =	sst s3;
	s4 =	sand.u32 $0x1, s4;
	v1 =	vsel vm1, $0x44F2C000, v1;
	v2 =	vsel vm1, $0x44E2A000, v2;
	v3 =	vsel vm1, $0x45016000, v3  }
0x10: {  	s5 =	sshll.u32 s2, $0x1;
	s6 =	sshrl.u32 s2, $0x2;
	_ =	strace $0x8000004A;
	v1 =	vsel vm0, $0x45099000, v1;
	v2 =	vsel vm0, $0x45018000, v2;
	v3 =	vsel vm0, $0x45119000, v3  }
0x11: {  	s5 =	sor.u32 s4, s5;
	s4 =	ssub.s32 $0x2, s4;
	s6 =	smul.u32 $0x8400, s6;
	v1 =	vsel vm10, $0x4519C000, v1;
	v2 =	vsel vm10, $0x4511B000, v2;
	v3 =	vsel vm10, $0x4521C000, v3  }
0x12: {  	s7 =	sshll.u32 s5, $0x7;
	s9 =	sshrl.u32 s4, $0x1;
	s10 =	sshll.u32 s5, $0x12;
	v1 =	vsel vm11, $0x4529F000, v1;
	v2 =	vsel vm11, $0x4521E000, v2;
	v3 =	vsel vm11, $0x4531F000, v3  }
0x13: {  	s30 =	sshll.u32 s5, $0x15;
	s7 =	sand.u32 $0x380, s7;
	s9 =	ssub.s32 s4, s9;
	v1 =	vsel vm12, $0x453A2000, v1;
	v2 =	vsel vm12, $0x45321000, v2;
	v3 =	vsel vm12, $0x45422000, v3  }
0x14: {  	s4 =	sadd.s32 s0, s10;
	s10 =	simm.s32 $0x8000;
	s6 =	sor.u32 s6, s7;
	v1 =	vsel vm13, $0x454A5000, v1;
	v2 =	vsel vm13, $0x45424000, v2;
	v3 =	vsel vm13, $0x45525000, v3  }
0x15: {  	s5 =	sadd.s32 $0x1000, s4;
	s7 =	sor.u32 $0x18000, s30;
	s31 =	sshrl.u32 s6, $0x3;
	v1 =	vsel vm14, $0x455A8000, v1;
	v2 =	vsel vm14, $0x45527000, v2;
	v3 =	vsel vm14, $0x45628000, v3  }
0x16: {  	s9 =	smax.u32 s9, $0x1;
	s6 =	sor.u32 $0x10000, s30;
	s8 =	sadd.s32 s8, s31;
	v1 =	vsel vm15, $0x456AB000, v1;
	v2 =	vsel vm15, $0x4562A000, v2;
	v3 =	vsel vm15, $0x4572B000, v3  }
.LBB2_1:
0x17: {  	s24 =	simm.s32 $0x10020  }
0x18: {  	[tilespmem:s24+$0xFFFFFFF0] =	vst v0  }
0x19: {  	[tilespmem:s24+$0x0] =	vst v0  }
0x1a: {  	[tilespmem:s24+$0x10] =	vst v0  }
0x1b: {  	s21 =	simm.s32 $0x110A0;
	[tilespmem:s24+$0xFFFFFFE0] =	vst v0  }
0x1c: {  	[tilespmem:s21+$0xFFFFFFF0] =	vst v0  }
0x1d: {  	[tilespmem:s21+$0x0] =	vst v0  }
0x1e: {  	[tilespmem:s21+$0x10] =	vst v0  }
0x1f: {  	s22 =	simm.s32 $0x12120;
	[tilespmem:s21+$0xFFFFFFE0] =	vst v0  }
0x20: {  	[tilespmem:s22+$0xFFFFFFF0] =	vst v0  }
0x21: {  	[tilespmem:s22+$0x0] =	vst v0  }
0x22: {  	[tilespmem:s22+$0x10] =	vst v0  }
0x23: {  	s23 =	simm.s32 $0x131A0;
	[tilespmem:s22+$0xFFFFFFE0] =	vst v0  }
0x24: {  	[tilespmem:s23+$0xFFFFFFF0] =	vst v0  }
0x25: {  	[tilespmem:s23+$0x0] =	vst v0  }
0x26: {  	[tilespmem:s23+$0x10] =	vst v0  }
0x27: {  	s25 =	simm.s32 $0x10060;
	s24 =	simm.s32 $0x0;
	[tilespmem:s23+$0xFFFFFFE0] =	vst v0  }
.LBB2_2:
0x28: {  	[tilespmem:s25+$0xFFFFFFF0] =	vst v0;
	s21 =	sadd.s32 $0x40, s21  }
0x29: {  	s22 =	sadd.s32 $0x40, s22;
	[tilespmem:s21+$0xFFFFFFF0] =	vst v0  }
0x2a: {  	s23 =	sadd.s32 $0x40, s23;
	[tilespmem:s22+$0xFFFFFFF0] =	vst v0  }
0x2b: {  	[tilespmem:s23+$0xFFFFFFF0] =	vst v0  }
0x2c: {  	[tilespmem:s25+$0x0] =	vst v0  }
0x2d: {  	[tilespmem:s21+$0x0] =	vst v0  }
0x2e: {  	[tilespmem:s22+$0x0] =	vst v0  }
0x2f: {  	[tilespmem:s23+$0x0] =	vst v0  }
0x30: {  	[tilespmem:s25+$0x10] =	vst v0  }
0x31: {  	s24 =	sadd.s32 $0x4, s24;
	[tilespmem:s21+$0x10] =	vst v0  }
0x32: {  	p0 =	slt.u32 s24, $0xFC;
	[tilespmem:s22+$0x10] =	vst v0  }
.Ltmp0:
0x33: {  	[tilespmem:s23+$0x10] =	vst v0;
	(pc) =	sbr.rel @p0 .LBB2_2-.Ltmp0, $4  }
0x34: {  	[tilespmem:s25+$0xFFFFFFE0] =	vst v0  }
0x35: {  	[tilespmem:s21+$0xFFFFFFE0] =	vst v0  }
0x36: {  	[tilespmem:s22+$0xFFFFFFE0] =	vst v0  }
0x37: {  	s26 =	simm.s32 $0x0;
	s25 =	sadd.s32 $0x40, s25;
	[tilespmem:s23+$0xFFFFFFE0] =	vst v0  }
.LBB2_3:
0x38: {  	p0 =	sne.s32 s26, $0x80  }
.Ltmp1:
0x39: {  	s21 =	sshra.s32 s26, $0x2;
	(pc) =	sbr.rel @p0 .LBB2_3-.Ltmp1, $4  }
0x3a: {  	[tilespmem:s21+$0x11000] =	vst v0  }
0x3b: {  	[tilespmem:s21+$0x12080] =	vst v0  }
0x3c: {  	[tilespmem:s21+$0x13100] =	vst v0  }
0x3d: {  	s26 =	sadd.s32 $0x40, s26;
	[tilespmem:s21+$0x14180] =	vst v0  }
0x3e: {  	s21 =	simm.s32 $0x0  }
0x3f: {  	[tilespmem:s21], [sflag:$0x1] =	stream.linear.gather [hbm4b:s4+s21], $0x8000, $0x38;
	[tilespmem:$0x14200] =	vst v63  }
0x40: {  	_ = 	snop  }
0x41: {  	[tilespmem:s10], [sflag:$0x2] =	stream.linear.gather [hbm4b:s5+s21], $0x8000, $0x38;
	[tilespmem:$0x14200] =	vst v63  }
.LBB2_5:
0x42: {  	_ =	swait.ge [sflag:s11], $0x8000  }
0x43: {  	[sflag:s11] =	ssyncset.done $0x0  }
0x44: {  	s22 =	simm.s32 $0x80;
	[sflag:s11] =	ssyncadd.s32 $0xFFFF8000  }
0x45: {  	v5 =	vld [tilespmem:s22+$0x40]  }
0x46: {  	v6 =	vld [tilespmem:s22+$0x10]  }
0x47: {  	v7 =	vld [tilespmem:s22+$0xFFFFFFC0]  }
0x48: {  	v9 =	vld [tilespmem:s22+$0xFFFFFF80]  }
0x49: {  	v8 =	vld [tilespmem:s22+$0x0]  }
0x4a: {  	v16 =	vld [tilespmem:s22+$0x60]  }
0x4b: {  	v10 =	vld [tilespmem:s22+$0xFFFFFF90]  }
0x4c: {  	v11 =	vld [tilespmem:s22+$0xFFFFFFA0];
	v6 =	vmul.f32 $3.187500000e+01, v6;
	v5 =	vmul.f32 $3.187500000e+01, v5  }
0x4d: {  	v7 =	vmul.f32 $3.187500000e+01, v7;
	v9 =	vmul.f32 $3.187500000e+01, v9  }
0x4e: {  	v14 =	vld [tilespmem:s22+$0x30];
	v8 =	vmul.f32 $3.187500000e+01, v8;
	v6 =	vadd.f32 v1, v6;
	v5 =	vadd.f32 v1, v5  }
0x4f: {  	v21 =	vmul.f32 $3.187500000e+01, v16;
	v7 =	vadd.f32 v1, v7;
	v9 =	vadd.f32 v1, v9  }
0x50: {  	v12 =	vmax.f32 v6, v2;
	v6 =	vadd.f32 v1, v8;
	v8 =	vmul.f32 $3.187500000e+01, v10  }
0x51: {  	v10 =	vmul.f32 $3.187500000e+01, v11;
	v5 =	vmax.f32 v5, v2;
	v11 =	vld [tilespmem:s22+$0xFFFFFFB0];
	v7 =	vmax.f32 v7, v2  }
0x52: {  	v18 =	vld [tilespmem:s22+$0xFFFFFFD0];
	v5 =	vmin.f32 v5, v3;
	v7 =	vmin.f32 v7, v3;
	v19 =	vmin.f32 v12, v3  }
0x53: {  	v12 =	vmul.f32 $3.187500000e+01, v14;
	v6 =	vmax.f32 v6, v2;
	v10 =	vadd.f32 v1, v10  }
0x54: {  	v7 =	vtrunc.f32 v7;
	v5 =	vtrunc.f32 v5;
	v6 =	vmin.f32 v6, v3  }
0x55: {  	v15 =	vadd.f32 v1, v8;
	v17 =	vcvt.f32.s32 v7;
	v13 =	vtrunc.f32 v6  }
0x56: {  	v14 =	vld [tilespmem:s22+$0x20];
	v8 =	vmax.f32 v10, v2;
	v10 =	vcvt.f32.s32 v13;
	v11 =	vmul.f32 $3.187500000e+01, v11  }
0x57: {  	v16 =	vmul.f32 $3.187500000e+01, v18;
	v7 =	vmax.f32 v9, v2;
	v5 =	vcvt.f32.s32 v5;
	v6 =	vld [tilespmem:s22+$0x50]  }
0x58: {  	v9 =	vmin.f32 v7, v3;
	v7 =	vmin.f32 v8, v3;
	v8 =	vld [tilespmem:s22+$0x70];
	v11 =	vadd.f32 v1, v11  }
0x59: {  	v20 =	vmax.f32 v15, v2;
	v13 =	vld [tilespmem:s22+$0xFFFFFFE0];
	v15 =	vtrunc.f32 v9;
	v9 =	vtrunc.f32 v19  }
0x5a: {  	v20 =	vmin.f32 v20, v3;
	v7 =	vtrunc.f32 v7;
	v19 =	vmax.f32 v11, v2;
	v11 =	vld [tilespmem:s22+$0xFFFFFFF0]  }
0x5b: {  	v9 =	vcvt.f32.s32 v9;
	v18 =	vtrunc.f32 v20;
	[tilespmem:v17+s12+$0x0] =	vst.idx.add.f32.msk $0xffff, v4;
	v19 =	vmin.f32 v19, v3  }
0x5c: {  	s23 =	simm.s32 $0x180;
	v7 =	vcvt.f32.s32 v7;
	s22 =	simm.s32 $0x0;
	v17 =	vadd.f32 v1, v21;
	[tilespmem:v10+s12+$0x0] =	vst.idx.add.f32.msk $0xffff, v4;
	v10 =	vtrunc.f32 v19  }
.LBB2_6:
0x5d: {  	v19 =	vld [tilespmem:s23+$0xFFFFFF90];
	s22 =	sadd.s32 $0x4, s22;
	v18 =	vcvt.f32.s32 v18;
	v16 =	vadd.f32 v1, v16;
	v14 =	vmul.f32 $3.187500000e+01, v14  }
0x5e: {  	v15 =	vcvt.f32.s32 v15;
	v13 =	vmul.f32 $3.187500000e+01, v13;
	v20 =	vld [tilespmem:s23+$0x40];
	p0 =	slt.u32 s22, $0x1FC;
	v17 =	vmax.f32 v17, v2  }
0x5f: {  	v22 =	vmul.f32 $3.187500000e+01, v6;
	v21 =	vld [tilespmem:s23+$0xFFFFFF80];
	v16 =	vmax.f32 v16, v2;
	v14 =	vadd.f32 v1, v14  }
0x60: {  	v12 =	vadd.f32 v1, v12;
	v8 =	vmul.f32 $3.187500000e+01, v8;
	v23 =	vld [tilespmem:s23+$0xFFFFFFC0];
	v6 =	vmin.f32 v16, v3  }
0x61: {  	v13 =	vadd.f32 v1, v13;
	v16 =	vld [tilespmem:s23+$0x0];
	v24 =	vtrunc.f32 v6;
	v14 =	vmax.f32 v14, v2  }
0x62: {  	v22 =	vadd.f32 v1, v22;
	v6 =	vld [tilespmem:s23+$0x50];
	v24 =	vcvt.f32.s32 v24;
	v14 =	vmin.f32 v14, v3  }
0x63: {  	v11 =	vmul.f32 $3.187500000e+01, v11;
	v13 =	vmax.f32 v13, v2;
	v25 =	vld [tilespmem:s23+$0x10];
	v14 =	vtrunc.f32 v14  }
0x64: {  	v13 =	vmin.f32 v13, v3;
	[tilespmem:v15+s12+$0x0] =	vst.idx.add.f32.msk $0xffff, v4;
	v14 =	vcvt.f32.s32 v14;
	v15 =	vmax.f32 v22, v2  }
0x65: {  	v12 =	vmax.f32 v12, v2;
	v17 =	vmin.f32 v17, v3;
	v13 =	vtrunc.f32 v13;
	v22 =	vld [tilespmem:s23+$0xFFFFFFA0]  }
0x66: {  	v10 =	vcvt.f32.s32 v10;
	v8 =	vadd.f32 v1, v8;
	[tilespmem:v9+s13+$0x0] =	vst.idx.add.f32.msk $0xffff, v4;
	v9 =	vmin.f32 v15, v3  }
0x67: {  	v11 =	vadd.f32 v1, v11;
	v13 =	vcvt.f32.s32 v13;
	v15 =	vtrunc.f32 v17;
	[tilespmem:v18+s13+$0x0] =	vst.idx.add.f32.msk $0xffff, v4  }
0x68: {  	v9 =	vtrunc.f32 v9;
	v17 =	vmul.f32 $3.187500000e+01, v25;
	[tilespmem:v7+s14+$0x0] =	vst.idx.add.f32.msk $0xffff, v4;
	v7 =	vmax.f32 v8, v2  }
0x69: {  	v8 =	vmax.f32 v11, v2;
	v11 =	vcvt.f32.s32 v15;
	[tilespmem:v24+s13+$0x0] =	vst.idx.add.f32.msk $0xffff, v4;
	v7 =	vmin.f32 v7, v3  }
0x6a: {  	v12 =	vmin.f32 v12, v3;
	v15 =	vmul.f32 $3.187500000e+01, v21;
	v17 =	vadd.f32 v1, v17;
	[tilespmem:v14+s14+$0x0] =	vst.idx.add.f32.msk $0xffff, v4  }
0x6b: {  	v18 =	vmul.f32 $3.187500000e+01, v20;
	v20 =	vmin.f32 v8, v3;
	v8 =	vtrunc.f32 v12;
	v14 =	vld [tilespmem:s23+$0xFFFFFFB0]  }
0x6c: {  	v12 =	vmul.f32 $3.187500000e+01, v16;
	v16 =	vmax.f32 v17, v2;
	[tilespmem:v10+s15+$0x0] =	vst.idx.add.f32.msk $0xffff, v4;
	v10 =	vcvt.f32.s32 v8  }
0x6d: {  	v18 =	vadd.f32 v1, v18;
	v17 =	vmul.f32 $3.187500000e+01, v19;
	v19 =	vmul.f32 $3.187500000e+01, v23;
	[tilespmem:v13+s14+$0x0] =	vst.idx.add.f32.msk $0xffff, v4  }
0x6e: {  	v9 =	vcvt.f32.s32 v9;
	v12 =	vadd.f32 v1, v12;
	v13 =	vmul.f32 $3.187500000e+01, v22;
	v8 =	vld [tilespmem:s23+$0x70]  }
0x6f: {  	v7 =	vtrunc.f32 v7;
	v18 =	vmax.f32 v18, v2;
	v19 =	vadd.f32 v1, v19;
	v21 =	vld [tilespmem:s23+$0xFFFFFFD0]  }
0x70: {  	v18 =	vmin.f32 v18, v3;
	v12 =	vmax.f32 v12, v2;
	[tilespmem:v5+s12+$0x0] =	vst.idx.add.f32.msk $0xffff, v4;
	v5 =	vcvt.f32.s32 v7  }
0x71: {  	v12 =	vmin.f32 v12, v3;
	v7 =	vadd.f32 v1, v15;
	v15 =	vmax.f32 v19, v2;
	v19 =	vld [tilespmem:s23+$0x60]  }
0x72: {  	v20 =	vtrunc.f32 v20;
	v12 =	vtrunc.f32 v12;
	v15 =	vmin.f32 v15, v3;
	[tilespmem:v10+s15+$0x0] =	vst.idx.add.f32.msk $0xffff, v4  }
0x73: {  	v20 =	vcvt.f32.s32 v20;
	v10 =	vadd.f32 v1, v13;
	v13 =	vtrunc.f32 v15;
	v15 =	vld [tilespmem:s23+$0x30]  }
0x74: {  	v18 =	vtrunc.f32 v18;
	v17 =	vadd.f32 v1, v17;
	v22 =	vcvt.f32.s32 v13;
	[tilespmem:v9+s13+$0x0] =	vst.idx.add.f32.msk $0xffff, v4  }
0x75: {  	v7 =	vmax.f32 v7, v2;
	v9 =	vmax.f32 v10, v2;
	v10 =	vcvt.f32.s32 v12;
	[tilespmem:v11+s14+$0x0] =	vst.idx.add.f32.msk $0xffff, v4  }
0x76: {  	v11 =	vmin.f32 v7, v3;
	v7 =	vmin.f32 v9, v3;
	v9 =	vmul.f32 $3.187500000e+01, v14;
	[tilespmem:v5+s15+$0x0] =	vst.idx.add.f32.msk $0xffff, v4  }
0x77: {  	v16 =	vmin.f32 v16, v3;
	v7 =	vtrunc.f32 v7;
	v5 =	vcvt.f32.s32 v18;
	v13 =	vld [tilespmem:s23+$0xFFFFFFE0]  }
.Ltmp2:
0x78: {  	v9 =	vadd.f32 v1, v9;
	v7 =	vcvt.f32.s32 v7;
	v14 =	vld [tilespmem:s23+$0x20];
	v12 =	vmul.f32 $3.187500000e+01, v15;
	(pc) =	sbr.rel @p0 .LBB2_6-.Ltmp2, $4  }
0x79: {  	v16 =	vtrunc.f32 v16;
	v17 =	vmax.f32 v17, v2;
	v15 =	vtrunc.f32 v11;
	[tilespmem:v20+s15+$0x0] =	vst.idx.add.f32.msk $0xffff, v4  }
0x7a: {  	v19 =	vmul.f32 $3.187500000e+01, v19;
	v18 =	vmax.f32 v9, v2;
	v9 =	vcvt.f32.s32 v16;
	v11 =	vld [tilespmem:s23+$0xFFFFFFF0]  }
0x7b: {  	v17 =	vmin.f32 v17, v3;
	v16 =	vmul.f32 $3.187500000e+01, v21;
	v20 =	vmin.f32 v18, v3;
	[tilespmem:v10+s12+$0x0] =	vst.idx.add.f32.msk $0xffff, v4  }
0x7c: {  	v18 =	vtrunc.f32 v17;
	v17 =	vadd.f32 v1, v19;
	s23 =	sadd.s32 $0x100, s23;
	v10 =	vtrunc.f32 v20;
	[tilespmem:v22+s12+$0x0] =	vst.idx.add.f32.msk $0xffff, v4  }
0x7d: {  	v18 =	vcvt.f32.s32 v18;
	v14 =	vmul.f32 $3.187500000e+01, v14  }
0x7e: {  	v16 =	vadd.f32 v1, v16;
	v15 =	vcvt.f32.s32 v15;
	v13 =	vmul.f32 $3.187500000e+01, v13  }
0x7f: {  	v6 =	vmul.f32 $3.187500000e+01, v6;
	v12 =	vadd.f32 v1, v12;
	v8 =	vmul.f32 $3.187500000e+01, v8  }
0x80: {  	v10 =	vcvt.f32.s32 v10;
	v17 =	vmax.f32 v17, v2;
	v14 =	vadd.f32 v1, v14  }
0x81: {  	v16 =	vmax.f32 v16, v2;
	v13 =	vadd.f32 v1, v13;
	v6 =	vadd.f32 v1, v6  }
0x82: {  	v11 =	vmul.f32 $3.187500000e+01, v11;
	v12 =	vmax.f32 v12, v2;
	v16 =	vmin.f32 v16, v3  }
0x83: {  	v8 =	vadd.f32 v1, v8;
	v12 =	vmin.f32 v12, v3;
	v16 =	vtrunc.f32 v16  }
0x84: {  	v14 =	vmax.f32 v14, v2;
	v13 =	vmax.f32 v13, v2;
	v6 =	vmax.f32 v6, v2  }
0x85: {  	v11 =	vadd.f32 v1, v11;
	v12 =	vtrunc.f32 v12;
	v13 =	vmin.f32 v13, v3  }
0x86: {  	[tilespmem:v9+s13+$0x0] =	vst.idx.add.f32.msk $0xffff, v4;
	v16 =	vcvt.f32.s32 v16;
	v14 =	vmin.f32 v14, v3;
	v13 =	vtrunc.f32 v13  }
0x87: {  	v6 =	vmin.f32 v6, v3;
	v14 =	vtrunc.f32 v14;
	[tilespmem:v15+s12+$0x0] =	vst.idx.add.f32.msk $0xffff, v4;
	v9 =	vcvt.f32.s32 v13  }
0x88: {  	v15 =	vmin.f32 v17, v3;
	v6 =	vtrunc.f32 v6;
	v14 =	vcvt.f32.s32 v14;
	[tilespmem:v18+s13+$0x0] =	vst.idx.add.f32.msk $0xffff, v4  }
0x89: {  	v11 =	vmax.f32 v11, v2;
	v6 =	vcvt.f32.s32 v6;
	[tilespmem:v7+s14+$0x0] =	vst.idx.add.f32.msk $0xffff, v4;
	v7 =	vmax.f32 v8, v2  }
0x8a: {  	[tilespmem:v5+s12+$0x0] =	vst.idx.add.f32.msk $0xffff, v4;
	v13 =	vtrunc.f32 v15;
	v8 =	vcvt.f32.s32 v12;
	v7 =	vmin.f32 v7, v3  }
0x8b: {  	v11 =	vmin.f32 v11, v3;
	v12 =	vcvt.f32.s32 v13;
	[tilespmem:v10+s15+$0x0] =	vst.idx.add.f32.msk $0xffff, v4;
	v7 =	vtrunc.f32 v7  }
0x8c: {  	v10 =	vtrunc.f32 v11;
	[tilespmem:v16+s13+$0x0] =	vst.idx.add.f32.msk $0xffff, v4;
	v7 =	vcvt.f32.s32 v7  }
0x8d: {  	[tilespmem:v9+s14+$0x0] =	vst.idx.add.f32.msk $0xffff, v4;
	v9 =	vcvt.f32.s32 v10  }
0x8e: {  	[tilespmem:v14+s14+$0x0] =	vst.idx.add.f32.msk $0xffff, v4  }
0x8f: {  	[tilespmem:v6+s13+$0x0] =	vst.idx.add.f32.msk $0xffff, v4  }
0x90: {  	s22 =	sshll.u32 s21, $0x10;
	[tilespmem:v8+s15+$0x0] =	vst.idx.add.f32.msk $0xffff, v4  }
0x91: {  	s23 =	sadd.s32 s22, s6;
	[tilespmem:v12+s14+$0x0] =	vst.idx.add.f32.msk $0xffff, v4  }
0x92: {  	s23 =	sshrl.u32 s23, $0x3;
	[tilespmem:v7+s15+$0x0] =	vst.idx.add.f32.msk $0xffff, v4  }
0x93: {  	s23 =	sadd.s32 s0, s23;
	[tilespmem:v9+s15+$0x0] =	vst.idx.add.f32.msk $0xffff, v4  }
0x94: {  	[tilespmem:s3], [sflag:$0x1] =	stream.linear.gather [hbm4b:s23+s3], $0x8000, $0x38;
	[tilespmem:$0x14200] =	vst v63  }
0x95: {  	_ =	swait.ge [sflag:s16], $0x8000  }
0x96: {  	[sflag:s16] =	ssyncset.done $0x0  }
0x97: {  	s31 =	simm.s32 $0x8080;
	[sflag:s16] =	ssyncadd.s32 $0xFFFF8000  }
0x98: {  	v5 =	vld [tilespmem:s31+$0x40]  }
0x99: {  	v6 =	vld [tilespmem:s31+$0x10]  }
0x9a: {  	v7 =	vld [tilespmem:s31+$0xFFFFFFC0]  }
0x9b: {  	v9 =	vld [tilespmem:s31+$0xFFFFFF80]  }
0x9c: {  	v8 =	vld [tilespmem:s31+$0x0]  }
0x9d: {  	v16 =	vld [tilespmem:s31+$0x60]  }
0x9e: {  	v10 =	vld [tilespmem:s31+$0xFFFFFF90]  }
0x9f: {  	v11 =	vld [tilespmem:s31+$0xFFFFFFA0];
	v6 =	vmul.f32 $3.187500000e+01, v6;
	v5 =	vmul.f32 $3.187500000e+01, v5  }
0xa0: {  	v7 =	vmul.f32 $3.187500000e+01, v7;
	v9 =	vmul.f32 $3.187500000e+01, v9  }
0xa1: {  	v14 =	vld [tilespmem:s31+$0x30];
	v8 =	vmul.f32 $3.187500000e+01, v8;
	v6 =	vadd.f32 v1, v6;
	v5 =	vadd.f32 v1, v5  }
0xa2: {  	v21 =	vmul.f32 $3.187500000e+01, v16;
	v7 =	vadd.f32 v1, v7;
	v9 =	vadd.f32 v1, v9  }
0xa3: {  	v12 =	vmax.f32 v6, v2;
	v6 =	vadd.f32 v1, v8;
	v8 =	vmul.f32 $3.187500000e+01, v10  }
0xa4: {  	v10 =	vmul.f32 $3.187500000e+01, v11;
	v5 =	vmax.f32 v5, v2;
	v11 =	vld [tilespmem:s31+$0xFFFFFFB0];
	v7 =	vmax.f32 v7, v2  }
0xa5: {  	v18 =	vld [tilespmem:s31+$0xFFFFFFD0];
	v5 =	vmin.f32 v5, v3;
	v7 =	vmin.f32 v7, v3;
	v19 =	vmin.f32 v12, v3  }
0xa6: {  	v12 =	vmul.f32 $3.187500000e+01, v14;
	v6 =	vmax.f32 v6, v2;
	v10 =	vadd.f32 v1, v10  }
0xa7: {  	v7 =	vtrunc.f32 v7;
	v5 =	vtrunc.f32 v5;
	v6 =	vmin.f32 v6, v3  }
0xa8: {  	v15 =	vadd.f32 v1, v8;
	v17 =	vcvt.f32.s32 v7;
	v13 =	vtrunc.f32 v6  }
0xa9: {  	v14 =	vld [tilespmem:s31+$0x20];
	v8 =	vmax.f32 v10, v2;
	v10 =	vcvt.f32.s32 v13;
	v11 =	vmul.f32 $3.187500000e+01, v11  }
0xaa: {  	v16 =	vmul.f32 $3.187500000e+01, v18;
	v7 =	vmax.f32 v9, v2;
	v5 =	vcvt.f32.s32 v5;
	v6 =	vld [tilespmem:s31+$0x50]  }
0xab: {  	v9 =	vmin.f32 v7, v3;
	v7 =	vmin.f32 v8, v3;
	v8 =	vld [tilespmem:s31+$0x70];
	v11 =	vadd.f32 v1, v11  }
0xac: {  	v20 =	vmax.f32 v15, v2;
	v13 =	vld [tilespmem:s31+$0xFFFFFFE0];
	v15 =	vtrunc.f32 v9;
	v9 =	vtrunc.f32 v19  }
0xad: {  	v20 =	vmin.f32 v20, v3;
	v7 =	vtrunc.f32 v7;
	v19 =	vmax.f32 v11, v2;
	v11 =	vld [tilespmem:s31+$0xFFFFFFF0]  }
0xae: {  	v9 =	vcvt.f32.s32 v9;
	v18 =	vtrunc.f32 v20;
	[tilespmem:v17+s12+$0x0] =	vst.idx.add.f32.msk $0xffff, v4;
	v19 =	vmin.f32 v19, v3  }
0xaf: {  	s24 =	simm.s32 $0x8180;
	s23 =	simm.s32 $0x0;
	v7 =	vcvt.f32.s32 v7;
	v17 =	vadd.f32 v1, v21;
	[tilespmem:v10+s12+$0x0] =	vst.idx.add.f32.msk $0xffff, v4;
	v10 =	vtrunc.f32 v19  }
.LBB2_8:
0xb0: {  	v19 =	vld [tilespmem:s24+$0xFFFFFF90];
	s23 =	sadd.s32 $0x4, s23;
	v18 =	vcvt.f32.s32 v18;
	v16 =	vadd.f32 v1, v16;
	v14 =	vmul.f32 $3.187500000e+01, v14  }
0xb1: {  	v15 =	vcvt.f32.s32 v15;
	v13 =	vmul.f32 $3.187500000e+01, v13;
	v20 =	vld [tilespmem:s24+$0x40];
	p0 =	slt.u32 s23, $0x1FC;
	v17 =	vmax.f32 v17, v2  }
0xb2: {  	v22 =	vmul.f32 $3.187500000e+01, v6;
	v21 =	vld [tilespmem:s24+$0xFFFFFF80];
	v16 =	vmax.f32 v16, v2;
	v14 =	vadd.f32 v1, v14  }
0xb3: {  	v12 =	vadd.f32 v1, v12;
	v8 =	vmul.f32 $3.187500000e+01, v8;
	v23 =	vld [tilespmem:s24+$0xFFFFFFC0];
	v6 =	vmin.f32 v16, v3  }
0xb4: {  	v13 =	vadd.f32 v1, v13;
	v16 =	vld [tilespmem:s24+$0x0];
	v24 =	vtrunc.f32 v6;
	v14 =	vmax.f32 v14, v2  }
0xb5: {  	v22 =	vadd.f32 v1, v22;
	v6 =	vld [tilespmem:s24+$0x50];
	v24 =	vcvt.f32.s32 v24;
	v14 =	vmin.f32 v14, v3  }
0xb6: {  	v11 =	vmul.f32 $3.187500000e+01, v11;
	v13 =	vmax.f32 v13, v2;
	v25 =	vld [tilespmem:s24+$0x10];
	v14 =	vtrunc.f32 v14  }
0xb7: {  	v13 =	vmin.f32 v13, v3;
	[tilespmem:v15+s12+$0x0] =	vst.idx.add.f32.msk $0xffff, v4;
	v14 =	vcvt.f32.s32 v14;
	v15 =	vmax.f32 v22, v2  }
0xb8: {  	v12 =	vmax.f32 v12, v2;
	v17 =	vmin.f32 v17, v3;
	v13 =	vtrunc.f32 v13;
	v22 =	vld [tilespmem:s24+$0xFFFFFFA0]  }
0xb9: {  	v10 =	vcvt.f32.s32 v10;
	v8 =	vadd.f32 v1, v8;
	[tilespmem:v9+s13+$0x0] =	vst.idx.add.f32.msk $0xffff, v4;
	v9 =	vmin.f32 v15, v3  }
0xba: {  	v11 =	vadd.f32 v1, v11;
	v13 =	vcvt.f32.s32 v13;
	v15 =	vtrunc.f32 v17;
	[tilespmem:v18+s13+$0x0] =	vst.idx.add.f32.msk $0xffff, v4  }
0xbb: {  	v9 =	vtrunc.f32 v9;
	v17 =	vmul.f32 $3.187500000e+01, v25;
	[tilespmem:v7+s14+$0x0] =	vst.idx.add.f32.msk $0xffff, v4;
	v7 =	vmax.f32 v8, v2  }
0xbc: {  	v8 =	vmax.f32 v11, v2;
	v11 =	vcvt.f32.s32 v15;
	[tilespmem:v24+s13+$0x0] =	vst.idx.add.f32.msk $0xffff, v4;
	v7 =	vmin.f32 v7, v3  }
0xbd: {  	v12 =	vmin.f32 v12, v3;
	v15 =	vmul.f32 $3.187500000e+01, v21;
	v17 =	vadd.f32 v1, v17;
	[tilespmem:v14+s14+$0x0] =	vst.idx.add.f32.msk $0xffff, v4  }
0xbe: {  	v18 =	vmul.f32 $3.187500000e+01, v20;
	v20 =	vmin.f32 v8, v3;
	v8 =	vtrunc.f32 v12;
	v14 =	vld [tilespmem:s24+$0xFFFFFFB0]  }
0xbf: {  	v12 =	vmul.f32 $3.187500000e+01, v16;
	v16 =	vmax.f32 v17, v2;
	[tilespmem:v10+s15+$0x0] =	vst.idx.add.f32.msk $0xffff, v4;
	v10 =	vcvt.f32.s32 v8  }
0xc0: {  	v18 =	vadd.f32 v1, v18;
	v17 =	vmul.f32 $3.187500000e+01, v19;
	v19 =	vmul.f32 $3.187500000e+01, v23;
	[tilespmem:v13+s14+$0x0] =	vst.idx.add.f32.msk $0xffff, v4  }
0xc1: {  	v9 =	vcvt.f32.s32 v9;
	v12 =	vadd.f32 v1, v12;
	v13 =	vmul.f32 $3.187500000e+01, v22;
	v8 =	vld [tilespmem:s24+$0x70]  }
0xc2: {  	v7 =	vtrunc.f32 v7;
	v18 =	vmax.f32 v18, v2;
	v19 =	vadd.f32 v1, v19;
	v21 =	vld [tilespmem:s24+$0xFFFFFFD0]  }
0xc3: {  	v18 =	vmin.f32 v18, v3;
	v12 =	vmax.f32 v12, v2;
	[tilespmem:v5+s12+$0x0] =	vst.idx.add.f32.msk $0xffff, v4;
	v5 =	vcvt.f32.s32 v7  }
0xc4: {  	v12 =	vmin.f32 v12, v3;
	v7 =	vadd.f32 v1, v15;
	v15 =	vmax.f32 v19, v2;
	v19 =	vld [tilespmem:s24+$0x60]  }
0xc5: {  	v20 =	vtrunc.f32 v20;
	v12 =	vtrunc.f32 v12;
	v15 =	vmin.f32 v15, v3;
	[tilespmem:v10+s15+$0x0] =	vst.idx.add.f32.msk $0xffff, v4  }
0xc6: {  	v20 =	vcvt.f32.s32 v20;
	v10 =	vadd.f32 v1, v13;
	v13 =	vtrunc.f32 v15;
	v15 =	vld [tilespmem:s24+$0x30]  }
0xc7: {  	v18 =	vtrunc.f32 v18;
	v17 =	vadd.f32 v1, v17;
	v22 =	vcvt.f32.s32 v13;
	[tilespmem:v9+s13+$0x0] =	vst.idx.add.f32.msk $0xffff, v4  }
0xc8: {  	v7 =	vmax.f32 v7, v2;
	v9 =	vmax.f32 v10, v2;
	v10 =	vcvt.f32.s32 v12;
	[tilespmem:v11+s14+$0x0] =	vst.idx.add.f32.msk $0xffff, v4  }
0xc9: {  	v11 =	vmin.f32 v7, v3;
	v7 =	vmin.f32 v9, v3;
	v9 =	vmul.f32 $3.187500000e+01, v14;
	[tilespmem:v5+s15+$0x0] =	vst.idx.add.f32.msk $0xffff, v4  }
0xca: {  	v16 =	vmin.f32 v16, v3;
	v7 =	vtrunc.f32 v7;
	v5 =	vcvt.f32.s32 v18;
	v13 =	vld [tilespmem:s24+$0xFFFFFFE0]  }
.Ltmp3:
0xcb: {  	v9 =	vadd.f32 v1, v9;
	v7 =	vcvt.f32.s32 v7;
	v14 =	vld [tilespmem:s24+$0x20];
	v12 =	vmul.f32 $3.187500000e+01, v15;
	(pc) =	sbr.rel @p0 .LBB2_8-.Ltmp3, $4  }
0xcc: {  	v16 =	vtrunc.f32 v16;
	v17 =	vmax.f32 v17, v2;
	v15 =	vtrunc.f32 v11;
	[tilespmem:v20+s15+$0x0] =	vst.idx.add.f32.msk $0xffff, v4  }
0xcd: {  	v19 =	vmul.f32 $3.187500000e+01, v19;
	v18 =	vmax.f32 v9, v2;
	v9 =	vcvt.f32.s32 v16;
	v11 =	vld [tilespmem:s24+$0xFFFFFFF0]  }
0xce: {  	v17 =	vmin.f32 v17, v3;
	v16 =	vmul.f32 $3.187500000e+01, v21;
	v20 =	vmin.f32 v18, v3;
	[tilespmem:v10+s12+$0x0] =	vst.idx.add.f32.msk $0xffff, v4  }
0xcf: {  	v18 =	vtrunc.f32 v17;
	v17 =	vadd.f32 v1, v19;
	s24 =	sadd.s32 $0x100, s24;
	v10 =	vtrunc.f32 v20;
	[tilespmem:v22+s12+$0x0] =	vst.idx.add.f32.msk $0xffff, v4  }
0xd0: {  	v18 =	vcvt.f32.s32 v18;
	v14 =	vmul.f32 $3.187500000e+01, v14  }
0xd1: {  	v16 =	vadd.f32 v1, v16;
	v15 =	vcvt.f32.s32 v15;
	v13 =	vmul.f32 $3.187500000e+01, v13  }
0xd2: {  	v6 =	vmul.f32 $3.187500000e+01, v6;
	v12 =	vadd.f32 v1, v12;
	v8 =	vmul.f32 $3.187500000e+01, v8  }
0xd3: {  	v10 =	vcvt.f32.s32 v10;
	v17 =	vmax.f32 v17, v2;
	v14 =	vadd.f32 v1, v14  }
0xd4: {  	v16 =	vmax.f32 v16, v2;
	v13 =	vadd.f32 v1, v13;
	v6 =	vadd.f32 v1, v6  }
0xd5: {  	v11 =	vmul.f32 $3.187500000e+01, v11;
	v12 =	vmax.f32 v12, v2;
	v57 =	vmin.f32 v17, v3  }
0xd6: {  	v8 =	vadd.f32 v1, v8;
	v16 =	vmin.f32 v16, v3;
	v59 =	vtrunc.f32 v57  }
0xd7: {  	v16 =	vtrunc.f32 v16;
	v14 =	vmax.f32 v14, v2;
	v13 =	vmax.f32 v13, v2  }
0xd8: {  	v6 =	vmax.f32 v6, v2;
	v11 =	vadd.f32 v1, v11;
	v14 =	vmin.f32 v14, v3  }
0xd9: {  	[tilespmem:v9+s13+$0x0] =	vst.idx.add.f32.msk $0xffff, v4;
	v16 =	vcvt.f32.s32 v16;
	v13 =	vmin.f32 v13, v3;
	v14 =	vtrunc.f32 v14  }
0xda: {  	[tilespmem:v5+s12+$0x0] =	vst.idx.add.f32.msk $0xffff, v4;
	v6 =	vmin.f32 v6, v3;
	v13 =	vtrunc.f32 v13;
	v14 =	vcvt.f32.s32 v14  }
0xdb: {  	v12 =	vmin.f32 v12, v3;
	[tilespmem:v15+s12+$0x0] =	vst.idx.add.f32.msk $0xffff, v4;
	v6 =	vtrunc.f32 v6;
	v58 =	vcvt.f32.s32 v13  }
0xdc: {  	v12 =	vtrunc.f32 v12;
	v11 =	vmax.f32 v11, v2;
	[tilespmem:v18+s13+$0x0] =	vst.idx.add.f32.msk $0xffff, v4;
	v6 =	vcvt.f32.s32 v6  }
0xdd: {  	v60 =	vcvt.f32.s32 v12;
	v11 =	vmin.f32 v11, v3;
	[tilespmem:v7+s14+$0x0] =	vst.idx.add.f32.msk $0xffff, v4;
	v7 =	vmax.f32 v8, v2  }
0xde: {  	v61 =	vcvt.f32.s32 v59;
	v62 =	vtrunc.f32 v11;
	v7 =	vmin.f32 v7, v3;
	[tilespmem:v10+s15+$0x0] =	vst.idx.add.f32.msk $0xffff, v4  }
0xdf: {  	v63 =	vcvt.f32.s32 v62;
	v7 =	vtrunc.f32 v7;
	[tilespmem:v16+s13+$0x0] =	vst.idx.add.f32.msk $0xffff, v4  }
0xe0: {  	v7 =	vcvt.f32.s32 v7;
	[tilespmem:v14+s14+$0x0] =	vst.idx.add.f32.msk $0xffff, v4  }
0xe1: {  	s21 =	sadd.s32 $0x1, s21;
	[tilespmem:v58+s14+$0x0] =	vst.idx.add.f32.msk $0xffff, v4  }
0xe2: {  	p0 =	sne.s32 s21, $0x1F;
	[tilespmem:v6+s13+$0x0] =	vst.idx.add.f32.msk $0xffff, v4  }
.Ltmp4:
0xe3: {  	[tilespmem:v60+s15+$0x0] =	vst.idx.add.f32.msk $0xffff, v4;
	(pc) =	sbr.rel @p0 .LBB2_5-.Ltmp4, $4  }
0xe4: {  	s22 =	sadd.s32 s22, s7;
	[tilespmem:v61+s14+$0x0] =	vst.idx.add.f32.msk $0xffff, v4  }
0xe5: {  	s22 =	sshrl.u32 s22, $0x3;
	[tilespmem:v63+s15+$0x0] =	vst.idx.add.f32.msk $0xffff, v4  }
0xe6: {  	s22 =	sadd.s32 s0, s22;
	[tilespmem:v7+s15+$0x0] =	vst.idx.add.f32.msk $0xffff, v4  }
0xe7: {  	[tilespmem:s10], [sflag:$0x2] =	stream.linear.gather [hbm4b:s22+s3], $0x8000, $0x38;
	[tilespmem:$0x14200] =	vst v63  }
0xe8: {  	_ =	swait.ge [sflag:s11], $0x8000  }
0xe9: {  	[sflag:s11] =	ssyncset.done $0x0  }
0xea: {  	s21 =	simm.s32 $0x80;
	[sflag:s11] =	ssyncadd.s32 $0xFFFF8000  }
0xeb: {  	v5 =	vld [tilespmem:s21+$0x40]  }
0xec: {  	v6 =	vld [tilespmem:s21+$0x10]  }
0xed: {  	v7 =	vld [tilespmem:s21+$0xFFFFFFC0]  }
0xee: {  	v9 =	vld [tilespmem:s21+$0xFFFFFF80]  }
0xef: {  	v8 =	vld [tilespmem:s21+$0x0]  }
0xf0: {  	v16 =	vld [tilespmem:s21+$0x60]  }
0xf1: {  	v10 =	vld [tilespmem:s21+$0xFFFFFF90]  }
0xf2: {  	v11 =	vld [tilespmem:s21+$0xFFFFFFA0];
	v6 =	vmul.f32 $3.187500000e+01, v6;
	v5 =	vmul.f32 $3.187500000e+01, v5  }
0xf3: {  	v7 =	vmul.f32 $3.187500000e+01, v7;
	v9 =	vmul.f32 $3.187500000e+01, v9  }
0xf4: {  	v14 =	vld [tilespmem:s21+$0x30];
	v8 =	vmul.f32 $3.187500000e+01, v8;
	v6 =	vadd.f32 v1, v6;
	v5 =	vadd.f32 v1, v5  }
0xf5: {  	v21 =	vmul.f32 $3.187500000e+01, v16;
	v7 =	vadd.f32 v1, v7;
	v9 =	vadd.f32 v1, v9  }
0xf6: {  	v12 =	vmax.f32 v6, v2;
	v6 =	vadd.f32 v1, v8;
	v8 =	vmul.f32 $3.187500000e+01, v10  }
0xf7: {  	v10 =	vmul.f32 $3.187500000e+01, v11;
	v5 =	vmax.f32 v5, v2;
	v11 =	vld [tilespmem:s21+$0xFFFFFFB0];
	v7 =	vmax.f32 v7, v2  }
0xf8: {  	v18 =	vld [tilespmem:s21+$0xFFFFFFD0];
	v5 =	vmin.f32 v5, v3;
	v7 =	vmin.f32 v7, v3;
	v19 =	vmin.f32 v12, v3  }
0xf9: {  	v12 =	vmul.f32 $3.187500000e+01, v14;
	v6 =	vmax.f32 v6, v2;
	v10 =	vadd.f32 v1, v10  }
0xfa: {  	v7 =	vtrunc.f32 v7;
	v5 =	vtrunc.f32 v5;
	v6 =	vmin.f32 v6, v3  }
0xfb: {  	v15 =	vadd.f32 v1, v8;
	v17 =	vcvt.f32.s32 v7;
	v13 =	vtrunc.f32 v6  }
0xfc: {  	v14 =	vld [tilespmem:s21+$0x20];
	v8 =	vmax.f32 v10, v2;
	v10 =	vcvt.f32.s32 v13;
	v11 =	vmul.f32 $3.187500000e+01, v11  }
0xfd: {  	v16 =	vmul.f32 $3.187500000e+01, v18;
	v7 =	vmax.f32 v9, v2;
	v5 =	vcvt.f32.s32 v5;
	v6 =	vld [tilespmem:s21+$0x50]  }
0xfe: {  	v9 =	vmin.f32 v7, v3;
	v7 =	vmin.f32 v8, v3;
	v8 =	vld [tilespmem:s21+$0x70];
	v11 =	vadd.f32 v1, v11  }
0xff: {  	v20 =	vmax.f32 v15, v2;
	v13 =	vld [tilespmem:s21+$0xFFFFFFE0];
	v15 =	vtrunc.f32 v9;
	v9 =	vtrunc.f32 v19  }
0x100: {  	v20 =	vmin.f32 v20, v3;
	v7 =	vtrunc.f32 v7;
	v19 =	vmax.f32 v11, v2;
	v11 =	vld [tilespmem:s21+$0xFFFFFFF0]  }
0x101: {  	v9 =	vcvt.f32.s32 v9;
	v18 =	vtrunc.f32 v20;
	[tilespmem:v17+s12+$0x0] =	vst.idx.add.f32.msk $0xffff, v4;
	v19 =	vmin.f32 v19, v3  }
0x102: {  	s22 =	simm.s32 $0x180;
	v7 =	vcvt.f32.s32 v7;
	s21 =	simm.s32 $0x0;
	v17 =	vadd.f32 v1, v21;
	[tilespmem:v10+s12+$0x0] =	vst.idx.add.f32.msk $0xffff, v4;
	v10 =	vtrunc.f32 v19  }
.LBB2_11:
0x103: {  	v19 =	vld [tilespmem:s22+$0xFFFFFF90];
	s21 =	sadd.s32 $0x4, s21;
	v18 =	vcvt.f32.s32 v18;
	v16 =	vadd.f32 v1, v16;
	v14 =	vmul.f32 $3.187500000e+01, v14  }
0x104: {  	v15 =	vcvt.f32.s32 v15;
	v13 =	vmul.f32 $3.187500000e+01, v13;
	v20 =	vld [tilespmem:s22+$0x40];
	p0 =	slt.u32 s21, $0x1FC;
	v17 =	vmax.f32 v17, v2  }
0x105: {  	v22 =	vmul.f32 $3.187500000e+01, v6;
	v21 =	vld [tilespmem:s22+$0xFFFFFF80];
	v16 =	vmax.f32 v16, v2;
	v14 =	vadd.f32 v1, v14  }
0x106: {  	v12 =	vadd.f32 v1, v12;
	v8 =	vmul.f32 $3.187500000e+01, v8;
	v23 =	vld [tilespmem:s22+$0xFFFFFFC0];
	v6 =	vmin.f32 v16, v3  }
0x107: {  	v13 =	vadd.f32 v1, v13;
	v16 =	vld [tilespmem:s22+$0x0];
	v24 =	vtrunc.f32 v6;
	v14 =	vmax.f32 v14, v2  }
0x108: {  	v22 =	vadd.f32 v1, v22;
	v6 =	vld [tilespmem:s22+$0x50];
	v24 =	vcvt.f32.s32 v24;
	v14 =	vmin.f32 v14, v3  }
0x109: {  	v11 =	vmul.f32 $3.187500000e+01, v11;
	v13 =	vmax.f32 v13, v2;
	v25 =	vld [tilespmem:s22+$0x10];
	v14 =	vtrunc.f32 v14  }
0x10a: {  	v13 =	vmin.f32 v13, v3;
	[tilespmem:v15+s12+$0x0] =	vst.idx.add.f32.msk $0xffff, v4;
	v14 =	vcvt.f32.s32 v14;
	v15 =	vmax.f32 v22, v2  }
0x10b: {  	v12 =	vmax.f32 v12, v2;
	v17 =	vmin.f32 v17, v3;
	v13 =	vtrunc.f32 v13;
	v22 =	vld [tilespmem:s22+$0xFFFFFFA0]  }
0x10c: {  	v10 =	vcvt.f32.s32 v10;
	v8 =	vadd.f32 v1, v8;
	[tilespmem:v9+s13+$0x0] =	vst.idx.add.f32.msk $0xffff, v4;
	v9 =	vmin.f32 v15, v3  }
0x10d: {  	v11 =	vadd.f32 v1, v11;
	v13 =	vcvt.f32.s32 v13;
	v15 =	vtrunc.f32 v17;
	[tilespmem:v18+s13+$0x0] =	vst.idx.add.f32.msk $0xffff, v4  }
0x10e: {  	v9 =	vtrunc.f32 v9;
	v17 =	vmul.f32 $3.187500000e+01, v25;
	[tilespmem:v7+s14+$0x0] =	vst.idx.add.f32.msk $0xffff, v4;
	v7 =	vmax.f32 v8, v2  }
0x10f: {  	v8 =	vmax.f32 v11, v2;
	v11 =	vcvt.f32.s32 v15;
	[tilespmem:v24+s13+$0x0] =	vst.idx.add.f32.msk $0xffff, v4;
	v7 =	vmin.f32 v7, v3  }
0x110: {  	v12 =	vmin.f32 v12, v3;
	v15 =	vmul.f32 $3.187500000e+01, v21;
	v17 =	vadd.f32 v1, v17;
	[tilespmem:v14+s14+$0x0] =	vst.idx.add.f32.msk $0xffff, v4  }
0x111: {  	v18 =	vmul.f32 $3.187500000e+01, v20;
	v20 =	vmin.f32 v8, v3;
	v8 =	vtrunc.f32 v12;
	v14 =	vld [tilespmem:s22+$0xFFFFFFB0]  }
0x112: {  	v12 =	vmul.f32 $3.187500000e+01, v16;
	v16 =	vmax.f32 v17, v2;
	[tilespmem:v10+s15+$0x0] =	vst.idx.add.f32.msk $0xffff, v4;
	v10 =	vcvt.f32.s32 v8  }
0x113: {  	v18 =	vadd.f32 v1, v18;
	v17 =	vmul.f32 $3.187500000e+01, v19;
	v19 =	vmul.f32 $3.187500000e+01, v23;
	[tilespmem:v13+s14+$0x0] =	vst.idx.add.f32.msk $0xffff, v4  }
0x114: {  	v9 =	vcvt.f32.s32 v9;
	v12 =	vadd.f32 v1, v12;
	v13 =	vmul.f32 $3.187500000e+01, v22;
	v8 =	vld [tilespmem:s22+$0x70]  }
0x115: {  	v7 =	vtrunc.f32 v7;
	v18 =	vmax.f32 v18, v2;
	v19 =	vadd.f32 v1, v19;
	v21 =	vld [tilespmem:s22+$0xFFFFFFD0]  }
0x116: {  	v18 =	vmin.f32 v18, v3;
	v12 =	vmax.f32 v12, v2;
	[tilespmem:v5+s12+$0x0] =	vst.idx.add.f32.msk $0xffff, v4;
	v5 =	vcvt.f32.s32 v7  }
0x117: {  	v12 =	vmin.f32 v12, v3;
	v7 =	vadd.f32 v1, v15;
	v15 =	vmax.f32 v19, v2;
	v19 =	vld [tilespmem:s22+$0x60]  }
0x118: {  	v20 =	vtrunc.f32 v20;
	v12 =	vtrunc.f32 v12;
	v15 =	vmin.f32 v15, v3;
	[tilespmem:v10+s15+$0x0] =	vst.idx.add.f32.msk $0xffff, v4  }
0x119: {  	v20 =	vcvt.f32.s32 v20;
	v10 =	vadd.f32 v1, v13;
	v13 =	vtrunc.f32 v15;
	v15 =	vld [tilespmem:s22+$0x30]  }
0x11a: {  	v18 =	vtrunc.f32 v18;
	v17 =	vadd.f32 v1, v17;
	v22 =	vcvt.f32.s32 v13;
	[tilespmem:v9+s13+$0x0] =	vst.idx.add.f32.msk $0xffff, v4  }
0x11b: {  	v7 =	vmax.f32 v7, v2;
	v9 =	vmax.f32 v10, v2;
	v10 =	vcvt.f32.s32 v12;
	[tilespmem:v11+s14+$0x0] =	vst.idx.add.f32.msk $0xffff, v4  }
0x11c: {  	v11 =	vmin.f32 v7, v3;
	v7 =	vmin.f32 v9, v3;
	v9 =	vmul.f32 $3.187500000e+01, v14;
	[tilespmem:v5+s15+$0x0] =	vst.idx.add.f32.msk $0xffff, v4  }
0x11d: {  	v16 =	vmin.f32 v16, v3;
	v7 =	vtrunc.f32 v7;
	v5 =	vcvt.f32.s32 v18;
	v13 =	vld [tilespmem:s22+$0xFFFFFFE0]  }
.Ltmp5:
0x11e: {  	v9 =	vadd.f32 v1, v9;
	v7 =	vcvt.f32.s32 v7;
	v14 =	vld [tilespmem:s22+$0x20];
	v12 =	vmul.f32 $3.187500000e+01, v15;
	(pc) =	sbr.rel @p0 .LBB2_11-.Ltmp5, $4  }
0x11f: {  	v16 =	vtrunc.f32 v16;
	v17 =	vmax.f32 v17, v2;
	v15 =	vtrunc.f32 v11;
	[tilespmem:v20+s15+$0x0] =	vst.idx.add.f32.msk $0xffff, v4  }
0x120: {  	v19 =	vmul.f32 $3.187500000e+01, v19;
	v18 =	vmax.f32 v9, v2;
	v9 =	vcvt.f32.s32 v16;
	v11 =	vld [tilespmem:s22+$0xFFFFFFF0]  }
0x121: {  	v17 =	vmin.f32 v17, v3;
	v16 =	vmul.f32 $3.187500000e+01, v21;
	v20 =	vmin.f32 v18, v3;
	[tilespmem:v10+s12+$0x0] =	vst.idx.add.f32.msk $0xffff, v4  }
0x122: {  	v18 =	vtrunc.f32 v17;
	v17 =	vadd.f32 v1, v19;
	s22 =	sadd.s32 $0x100, s22;
	v10 =	vtrunc.f32 v20;
	[tilespmem:v22+s12+$0x0] =	vst.idx.add.f32.msk $0xffff, v4  }
0x123: {  	v18 =	vcvt.f32.s32 v18;
	v14 =	vmul.f32 $3.187500000e+01, v14  }
0x124: {  	v16 =	vadd.f32 v1, v16;
	v15 =	vcvt.f32.s32 v15;
	v13 =	vmul.f32 $3.187500000e+01, v13  }
0x125: {  	v6 =	vmul.f32 $3.187500000e+01, v6;
	v12 =	vadd.f32 v1, v12;
	v8 =	vmul.f32 $3.187500000e+01, v8  }
0x126: {  	v10 =	vcvt.f32.s32 v10;
	v17 =	vmax.f32 v17, v2;
	v14 =	vadd.f32 v1, v14  }
0x127: {  	v16 =	vmax.f32 v16, v2;
	v13 =	vadd.f32 v1, v13;
	v6 =	vadd.f32 v1, v6  }
0x128: {  	v11 =	vmul.f32 $3.187500000e+01, v11;
	v12 =	vmax.f32 v12, v2;
	v16 =	vmin.f32 v16, v3  }
0x129: {  	v8 =	vadd.f32 v1, v8;
	v12 =	vmin.f32 v12, v3;
	v16 =	vtrunc.f32 v16  }
0x12a: {  	v14 =	vmax.f32 v14, v2;
	v13 =	vmax.f32 v13, v2;
	v6 =	vmax.f32 v6, v2  }
0x12b: {  	v11 =	vadd.f32 v1, v11;
	v12 =	vtrunc.f32 v12;
	v13 =	vmin.f32 v13, v3  }
0x12c: {  	[tilespmem:v9+s13+$0x0] =	vst.idx.add.f32.msk $0xffff, v4;
	v16 =	vcvt.f32.s32 v16;
	v14 =	vmin.f32 v14, v3;
	v13 =	vtrunc.f32 v13  }
0x12d: {  	v6 =	vmin.f32 v6, v3;
	v14 =	vtrunc.f32 v14;
	[tilespmem:v15+s12+$0x0] =	vst.idx.add.f32.msk $0xffff, v4;
	v9 =	vcvt.f32.s32 v13  }
0x12e: {  	v15 =	vmin.f32 v17, v3;
	v6 =	vtrunc.f32 v6;
	v14 =	vcvt.f32.s32 v14;
	[tilespmem:v18+s13+$0x0] =	vst.idx.add.f32.msk $0xffff, v4  }
0x12f: {  	v11 =	vmax.f32 v11, v2;
	v6 =	vcvt.f32.s32 v6;
	[tilespmem:v7+s14+$0x0] =	vst.idx.add.f32.msk $0xffff, v4;
	v7 =	vmax.f32 v8, v2  }
0x130: {  	[tilespmem:v5+s12+$0x0] =	vst.idx.add.f32.msk $0xffff, v4;
	v13 =	vtrunc.f32 v15;
	v8 =	vcvt.f32.s32 v12;
	v7 =	vmin.f32 v7, v3  }
0x131: {  	v11 =	vmin.f32 v11, v3;
	v12 =	vcvt.f32.s32 v13;
	[tilespmem:v10+s15+$0x0] =	vst.idx.add.f32.msk $0xffff, v4;
	v7 =	vtrunc.f32 v7  }
0x132: {  	v10 =	vtrunc.f32 v11;
	[tilespmem:v16+s13+$0x0] =	vst.idx.add.f32.msk $0xffff, v4;
	v7 =	vcvt.f32.s32 v7  }
0x133: {  	[tilespmem:v9+s14+$0x0] =	vst.idx.add.f32.msk $0xffff, v4;
	v9 =	vcvt.f32.s32 v10  }
0x134: {  	[tilespmem:v14+s14+$0x0] =	vst.idx.add.f32.msk $0xffff, v4  }
0x135: {  	[tilespmem:v6+s13+$0x0] =	vst.idx.add.f32.msk $0xffff, v4  }
0x136: {  	[tilespmem:v8+s15+$0x0] =	vst.idx.add.f32.msk $0xffff, v4  }
0x137: {  	[tilespmem:v12+s14+$0x0] =	vst.idx.add.f32.msk $0xffff, v4  }
0x138: {  	[tilespmem:v7+s15+$0x0] =	vst.idx.add.f32.msk $0xffff, v4  }
0x139: {  	[tilespmem:v9+s15+$0x0] =	vst.idx.add.f32.msk $0xffff, v4  }
0x13a: {  	_ =	swait.ge [sflag:s16], $0x8000  }
0x13b: {  	[sflag:s16] =	ssyncset.done $0x0  }
0x13c: {  	s21 =	simm.s32 $0x8080;
	[sflag:s16] =	ssyncadd.s32 $0xFFFF8000  }
0x13d: {  	v5 =	vld [tilespmem:s21+$0x40]  }
0x13e: {  	v6 =	vld [tilespmem:s21+$0x10]  }
0x13f: {  	v7 =	vld [tilespmem:s21+$0xFFFFFFC0]  }
0x140: {  	v9 =	vld [tilespmem:s21+$0xFFFFFF80]  }
0x141: {  	v8 =	vld [tilespmem:s21+$0x0]  }
0x142: {  	v16 =	vld [tilespmem:s21+$0x60]  }
0x143: {  	v10 =	vld [tilespmem:s21+$0xFFFFFF90]  }
0x144: {  	v11 =	vld [tilespmem:s21+$0xFFFFFFA0];
	v6 =	vmul.f32 $3.187500000e+01, v6;
	v5 =	vmul.f32 $3.187500000e+01, v5  }
0x145: {  	v7 =	vmul.f32 $3.187500000e+01, v7;
	v9 =	vmul.f32 $3.187500000e+01, v9  }
0x146: {  	v14 =	vld [tilespmem:s21+$0x30];
	v8 =	vmul.f32 $3.187500000e+01, v8;
	v6 =	vadd.f32 v1, v6;
	v5 =	vadd.f32 v1, v5  }
0x147: {  	v21 =	vmul.f32 $3.187500000e+01, v16;
	v7 =	vadd.f32 v1, v7;
	v9 =	vadd.f32 v1, v9  }
0x148: {  	v12 =	vmax.f32 v6, v2;
	v6 =	vadd.f32 v1, v8;
	v8 =	vmul.f32 $3.187500000e+01, v10  }
0x149: {  	v10 =	vmul.f32 $3.187500000e+01, v11;
	v5 =	vmax.f32 v5, v2;
	v11 =	vld [tilespmem:s21+$0xFFFFFFB0];
	v7 =	vmax.f32 v7, v2  }
0x14a: {  	v18 =	vld [tilespmem:s21+$0xFFFFFFD0];
	v5 =	vmin.f32 v5, v3;
	v7 =	vmin.f32 v7, v3;
	v19 =	vmin.f32 v12, v3  }
0x14b: {  	v12 =	vmul.f32 $3.187500000e+01, v14;
	v6 =	vmax.f32 v6, v2;
	v10 =	vadd.f32 v1, v10  }
0x14c: {  	v7 =	vtrunc.f32 v7;
	v5 =	vtrunc.f32 v5;
	v6 =	vmin.f32 v6, v3  }
0x14d: {  	v15 =	vadd.f32 v1, v8;
	v17 =	vcvt.f32.s32 v7;
	v13 =	vtrunc.f32 v6  }
0x14e: {  	v14 =	vld [tilespmem:s21+$0x20];
	v8 =	vmax.f32 v10, v2;
	v10 =	vcvt.f32.s32 v13;
	v11 =	vmul.f32 $3.187500000e+01, v11  }
0x14f: {  	v16 =	vmul.f32 $3.187500000e+01, v18;
	v7 =	vmax.f32 v9, v2;
	v5 =	vcvt.f32.s32 v5;
	v6 =	vld [tilespmem:s21+$0x50]  }
0x150: {  	v9 =	vmin.f32 v7, v3;
	v7 =	vmin.f32 v8, v3;
	v8 =	vld [tilespmem:s21+$0x70];
	v11 =	vadd.f32 v1, v11  }
0x151: {  	v20 =	vmax.f32 v15, v2;
	v13 =	vld [tilespmem:s21+$0xFFFFFFE0];
	v15 =	vtrunc.f32 v9;
	v9 =	vtrunc.f32 v19  }
0x152: {  	v20 =	vmin.f32 v20, v3;
	v7 =	vtrunc.f32 v7;
	v19 =	vmax.f32 v11, v2;
	v11 =	vld [tilespmem:s21+$0xFFFFFFF0]  }
0x153: {  	v9 =	vcvt.f32.s32 v9;
	v18 =	vtrunc.f32 v20;
	[tilespmem:v17+s12+$0x0] =	vst.idx.add.f32.msk $0xffff, v4;
	v19 =	vmin.f32 v19, v3  }
0x154: {  	s22 =	simm.s32 $0x8180;
	v7 =	vcvt.f32.s32 v7;
	s21 =	simm.s32 $0x0;
	v17 =	vadd.f32 v1, v21;
	[tilespmem:v10+s12+$0x0] =	vst.idx.add.f32.msk $0xffff, v4;
	v10 =	vtrunc.f32 v19  }
.LBB2_13:
0x155: {  	v19 =	vld [tilespmem:s22+$0xFFFFFF90];
	s21 =	sadd.s32 $0x4, s21;
	v18 =	vcvt.f32.s32 v18;
	v16 =	vadd.f32 v1, v16;
	v14 =	vmul.f32 $3.187500000e+01, v14  }
0x156: {  	v15 =	vcvt.f32.s32 v15;
	v13 =	vmul.f32 $3.187500000e+01, v13;
	v20 =	vld [tilespmem:s22+$0x40];
	p0 =	slt.u32 s21, $0x1FC;
	v17 =	vmax.f32 v17, v2  }
0x157: {  	v22 =	vmul.f32 $3.187500000e+01, v6;
	v21 =	vld [tilespmem:s22+$0xFFFFFF80];
	v16 =	vmax.f32 v16, v2;
	v14 =	vadd.f32 v1, v14  }
0x158: {  	v12 =	vadd.f32 v1, v12;
	v8 =	vmul.f32 $3.187500000e+01, v8;
	v23 =	vld [tilespmem:s22+$0xFFFFFFC0];
	v6 =	vmin.f32 v16, v3  }
0x159: {  	v13 =	vadd.f32 v1, v13;
	v16 =	vld [tilespmem:s22+$0x0];
	v24 =	vtrunc.f32 v6;
	v14 =	vmax.f32 v14, v2  }
0x15a: {  	v22 =	vadd.f32 v1, v22;
	v6 =	vld [tilespmem:s22+$0x50];
	v24 =	vcvt.f32.s32 v24;
	v14 =	vmin.f32 v14, v3  }
0x15b: {  	v11 =	vmul.f32 $3.187500000e+01, v11;
	v13 =	vmax.f32 v13, v2;
	v25 =	vld [tilespmem:s22+$0x10];
	v14 =	vtrunc.f32 v14  }
0x15c: {  	v13 =	vmin.f32 v13, v3;
	[tilespmem:v15+s12+$0x0] =	vst.idx.add.f32.msk $0xffff, v4;
	v14 =	vcvt.f32.s32 v14;
	v15 =	vmax.f32 v22, v2  }
0x15d: {  	v12 =	vmax.f32 v12, v2;
	v17 =	vmin.f32 v17, v3;
	v13 =	vtrunc.f32 v13;
	v22 =	vld [tilespmem:s22+$0xFFFFFFA0]  }
0x15e: {  	v10 =	vcvt.f32.s32 v10;
	v8 =	vadd.f32 v1, v8;
	[tilespmem:v9+s13+$0x0] =	vst.idx.add.f32.msk $0xffff, v4;
	v9 =	vmin.f32 v15, v3  }
0x15f: {  	v11 =	vadd.f32 v1, v11;
	v13 =	vcvt.f32.s32 v13;
	v15 =	vtrunc.f32 v17;
	[tilespmem:v18+s13+$0x0] =	vst.idx.add.f32.msk $0xffff, v4  }
0x160: {  	v9 =	vtrunc.f32 v9;
	v17 =	vmul.f32 $3.187500000e+01, v25;
	[tilespmem:v7+s14+$0x0] =	vst.idx.add.f32.msk $0xffff, v4;
	v7 =	vmax.f32 v8, v2  }
0x161: {  	v8 =	vmax.f32 v11, v2;
	v11 =	vcvt.f32.s32 v15;
	[tilespmem:v24+s13+$0x0] =	vst.idx.add.f32.msk $0xffff, v4;
	v7 =	vmin.f32 v7, v3  }
0x162: {  	v12 =	vmin.f32 v12, v3;
	v15 =	vmul.f32 $3.187500000e+01, v21;
	v17 =	vadd.f32 v1, v17;
	[tilespmem:v14+s14+$0x0] =	vst.idx.add.f32.msk $0xffff, v4  }
0x163: {  	v18 =	vmul.f32 $3.187500000e+01, v20;
	v20 =	vmin.f32 v8, v3;
	v8 =	vtrunc.f32 v12;
	v14 =	vld [tilespmem:s22+$0xFFFFFFB0]  }
0x164: {  	v12 =	vmul.f32 $3.187500000e+01, v16;
	v16 =	vmax.f32 v17, v2;
	[tilespmem:v10+s15+$0x0] =	vst.idx.add.f32.msk $0xffff, v4;
	v10 =	vcvt.f32.s32 v8  }
0x165: {  	v18 =	vadd.f32 v1, v18;
	v17 =	vmul.f32 $3.187500000e+01, v19;
	v19 =	vmul.f32 $3.187500000e+01, v23;
	[tilespmem:v13+s14+$0x0] =	vst.idx.add.f32.msk $0xffff, v4  }
0x166: {  	v9 =	vcvt.f32.s32 v9;
	v12 =	vadd.f32 v1, v12;
	v13 =	vmul.f32 $3.187500000e+01, v22;
	v8 =	vld [tilespmem:s22+$0x70]  }
0x167: {  	v7 =	vtrunc.f32 v7;
	v18 =	vmax.f32 v18, v2;
	v19 =	vadd.f32 v1, v19;
	v21 =	vld [tilespmem:s22+$0xFFFFFFD0]  }
0x168: {  	v18 =	vmin.f32 v18, v3;
	v12 =	vmax.f32 v12, v2;
	[tilespmem:v5+s12+$0x0] =	vst.idx.add.f32.msk $0xffff, v4;
	v5 =	vcvt.f32.s32 v7  }
0x169: {  	v12 =	vmin.f32 v12, v3;
	v7 =	vadd.f32 v1, v15;
	v15 =	vmax.f32 v19, v2;
	v19 =	vld [tilespmem:s22+$0x60]  }
0x16a: {  	v20 =	vtrunc.f32 v20;
	v12 =	vtrunc.f32 v12;
	v15 =	vmin.f32 v15, v3;
	[tilespmem:v10+s15+$0x0] =	vst.idx.add.f32.msk $0xffff, v4  }
0x16b: {  	v20 =	vcvt.f32.s32 v20;
	v10 =	vadd.f32 v1, v13;
	v13 =	vtrunc.f32 v15;
	v15 =	vld [tilespmem:s22+$0x30]  }
0x16c: {  	v18 =	vtrunc.f32 v18;
	v17 =	vadd.f32 v1, v17;
	v22 =	vcvt.f32.s32 v13;
	[tilespmem:v9+s13+$0x0] =	vst.idx.add.f32.msk $0xffff, v4  }
0x16d: {  	v7 =	vmax.f32 v7, v2;
	v9 =	vmax.f32 v10, v2;
	v10 =	vcvt.f32.s32 v12;
	[tilespmem:v11+s14+$0x0] =	vst.idx.add.f32.msk $0xffff, v4  }
0x16e: {  	v11 =	vmin.f32 v7, v3;
	v7 =	vmin.f32 v9, v3;
	v9 =	vmul.f32 $3.187500000e+01, v14;
	[tilespmem:v5+s15+$0x0] =	vst.idx.add.f32.msk $0xffff, v4  }
0x16f: {  	v16 =	vmin.f32 v16, v3;
	v7 =	vtrunc.f32 v7;
	v5 =	vcvt.f32.s32 v18;
	v13 =	vld [tilespmem:s22+$0xFFFFFFE0]  }
.Ltmp6:
0x170: {  	v9 =	vadd.f32 v1, v9;
	v7 =	vcvt.f32.s32 v7;
	v14 =	vld [tilespmem:s22+$0x20];
	v12 =	vmul.f32 $3.187500000e+01, v15;
	(pc) =	sbr.rel @p0 .LBB2_13-.Ltmp6, $4  }
0x171: {  	v16 =	vtrunc.f32 v16;
	v17 =	vmax.f32 v17, v2;
	v15 =	vtrunc.f32 v11;
	[tilespmem:v20+s15+$0x0] =	vst.idx.add.f32.msk $0xffff, v4  }
0x172: {  	v19 =	vmul.f32 $3.187500000e+01, v19;
	v18 =	vmax.f32 v9, v2;
	v9 =	vcvt.f32.s32 v16;
	v11 =	vld [tilespmem:s22+$0xFFFFFFF0]  }
0x173: {  	v17 =	vmin.f32 v17, v3;
	v16 =	vmul.f32 $3.187500000e+01, v21;
	v20 =	vmin.f32 v18, v3;
	[tilespmem:v10+s12+$0x0] =	vst.idx.add.f32.msk $0xffff, v4  }
0x174: {  	s24 =	simm.s32 $0x110A0;
	s23 =	simm.s32 $0x10020;
	v18 =	vtrunc.f32 v17;
	v17 =	vadd.f32 v1, v19;
	s22 =	sadd.s32 $0x100, s22;
	v10 =	vtrunc.f32 v20;
	[tilespmem:v22+s12+$0x0] =	vst.idx.add.f32.msk $0xffff, v4  }
0x175: {  	v18 =	vcvt.f32.s32 v18;
	v14 =	vmul.f32 $3.187500000e+01, v14  }
0x176: {  	v16 =	vadd.f32 v1, v16;
	v15 =	vcvt.f32.s32 v15;
	v13 =	vmul.f32 $3.187500000e+01, v13  }
0x177: {  	v6 =	vmul.f32 $3.187500000e+01, v6;
	v12 =	vadd.f32 v1, v12;
	v8 =	vmul.f32 $3.187500000e+01, v8  }
0x178: {  	v10 =	vcvt.f32.s32 v10;
	v17 =	vmax.f32 v17, v2;
	v14 =	vadd.f32 v1, v14  }
0x179: {  	v16 =	vmax.f32 v16, v2;
	v13 =	vadd.f32 v1, v13;
	v6 =	vadd.f32 v1, v6  }
0x17a: {  	v11 =	vmul.f32 $3.187500000e+01, v11;
	v12 =	vmax.f32 v12, v2;
	v16 =	vmin.f32 v16, v3  }
0x17b: {  	v8 =	vadd.f32 v1, v8;
	v12 =	vmin.f32 v12, v3;
	v16 =	vtrunc.f32 v16  }
0x17c: {  	v14 =	vmax.f32 v14, v2;
	v13 =	vmax.f32 v13, v2;
	v6 =	vmax.f32 v6, v2  }
0x17d: {  	v11 =	vadd.f32 v1, v11;
	v12 =	vtrunc.f32 v12;
	v13 =	vmin.f32 v13, v3  }
0x17e: {  	[tilespmem:v9+s13+$0x0] =	vst.idx.add.f32.msk $0xffff, v4;
	v16 =	vcvt.f32.s32 v16;
	v14 =	vmin.f32 v14, v3;
	v13 =	vtrunc.f32 v13  }
0x17f: {  	v6 =	vmin.f32 v6, v3;
	v14 =	vtrunc.f32 v14;
	[tilespmem:v15+s12+$0x0] =	vst.idx.add.f32.msk $0xffff, v4;
	v9 =	vcvt.f32.s32 v13  }
0x180: {  	v15 =	vmin.f32 v17, v3;
	v6 =	vtrunc.f32 v6;
	v14 =	vcvt.f32.s32 v14;
	[tilespmem:v18+s13+$0x0] =	vst.idx.add.f32.msk $0xffff, v4  }
0x181: {  	v11 =	vmax.f32 v11, v2;
	v6 =	vcvt.f32.s32 v6;
	[tilespmem:v7+s14+$0x0] =	vst.idx.add.f32.msk $0xffff, v4;
	v7 =	vmax.f32 v8, v2  }
0x182: {  	[tilespmem:v5+s12+$0x0] =	vst.idx.add.f32.msk $0xffff, v4;
	v13 =	vtrunc.f32 v15;
	v8 =	vcvt.f32.s32 v12;
	v7 =	vmin.f32 v7, v3  }
0x183: {  	v11 =	vmin.f32 v11, v3;
	v12 =	vcvt.f32.s32 v13;
	[tilespmem:v10+s15+$0x0] =	vst.idx.add.f32.msk $0xffff, v4;
	v7 =	vtrunc.f32 v7  }
0x184: {  	v10 =	vtrunc.f32 v11;
	[tilespmem:v16+s13+$0x0] =	vst.idx.add.f32.msk $0xffff, v4;
	v7 =	vcvt.f32.s32 v7  }
0x185: {  	[tilespmem:v9+s14+$0x0] =	vst.idx.add.f32.msk $0xffff, v4;
	v9 =	vcvt.f32.s32 v10  }
0x186: {  	[tilespmem:v14+s14+$0x0] =	vst.idx.add.f32.msk $0xffff, v4  }
0x187: {  	[tilespmem:v6+s13+$0x0] =	vst.idx.add.f32.msk $0xffff, v4  }
0x188: {  	[tilespmem:v8+s15+$0x0] =	vst.idx.add.f32.msk $0xffff, v4  }
0x189: {  	[tilespmem:v12+s14+$0x0] =	vst.idx.add.f32.msk $0xffff, v4  }
0x18a: {  	[tilespmem:v7+s15+$0x0] =	vst.idx.add.f32.msk $0xffff, v4  }
0x18b: {  	[tilespmem:v9+s15+$0x0] =	vst.idx.add.f32.msk $0xffff, v4  }
0x18c: {  	v6 =	vld [tilespmem:s23+$0x10]  }
0x18d: {  	s21 =	simm.s32 $0x12120;
	v7 =	vld [tilespmem:s24+$0x10]  }
0x18e: {  	s22 =	simm.s32 $0x131A0;
	v8 =	vld [tilespmem:s21+$0x10]  }
0x18f: {  	v9 =	vld [tilespmem:s22+$0x10]  }
0x190: {  	v5 =	vld [tilespmem:s24+$0xFFFFFFE0]  }
0x191: {  	v10 =	vld [tilespmem:s21+$0xFFFFFFE0]  }
0x192: {  	v11 =	vld [tilespmem:s22+$0xFFFFFFE0]  }
0x193: {  	v12 =	vld [tilespmem:s23+$0xFFFFFFF0]  }
0x194: {  	v13 =	vld [tilespmem:s24+$0xFFFFFFF0]  }
0x195: {  	v14 =	vld [tilespmem:s21+$0xFFFFFFF0];
	v6 =	vadd.f32 v7, v6;
	v7 =	vadd.f32 v9, v8  }
0x196: {  	v15 =	vld [tilespmem:s22+$0xFFFFFFF0]  }
0x197: {  	v8 =	vld [tilespmem:s23+$0x0];
	v6 =	vadd.f32 v7, v6  }
0x198: {  	v9 =	vld [tilespmem:s24+$0x0]  }
0x199: {  	v7 =	vld [tilespmem:s21+$0x0];
	v63 =	vmul.f32 $1.490116120e-08, v6  }
0x19a: {  	v6 =	vadd.f32 v11, v10;
	v10 =	vld [tilespmem:s22+$0x0]  }
0x19b: {  	s25 =	simm.s32 $0x0;
	s26 =	simm.s32 $0x10060;
	v12 =	vadd.f32 v13, v12;
	v13 =	vadd.f32 v15, v14;
	v11 =	vld [tilespmem:s23+$0xFFFFFFE0];
	[tilespmem:s23+$0x10] =	vst v63  }
.LBB2_15:
0x19c: {  	v14 =	vld [tilespmem:s26+$0x10];
	s24 =	sadd.s32 $0x40, s24  }
0x19d: {  	s21 =	sadd.s32 $0x40, s21;
	v15 =	vld [tilespmem:s24+$0x10];
	v12 =	vadd.f32 v13, v12;
	v8 =	vadd.f32 v9, v8  }
0x19e: {  	s22 =	sadd.s32 $0x40, s22;
	v9 =	vld [tilespmem:s21+$0x10]  }
0x19f: {  	s25 =	sadd.s32 $0x4, s25;
	v13 =	vld [tilespmem:s22+$0x10];
	v12 =	vmul.f32 $1.490116120e-08, v12;
	v7 =	vadd.f32 v10, v7  }
0x1a0: {  	p0 =	slt.u32 s25, $0xFC;
	v10 =	vadd.f32 v5, v11;
	v5 =	vld [tilespmem:s24+$0xFFFFFFE0]  }
0x1a1: {  	v11 =	vld [tilespmem:s21+$0xFFFFFFE0];
	[tilespmem:s23+$0xFFFFFFF0] =	vst v12;
	v7 =	vadd.f32 v7, v8  }
0x1a2: {  	v8 =	vld [tilespmem:s22+$0xFFFFFFE0];
	v6 =	vadd.f32 v6, v10  }
0x1a3: {  	v10 =	vld [tilespmem:s26+$0xFFFFFFF0];
	v7 =	vmul.f32 $1.490116120e-08, v7  }
0x1a4: {  	v14 =	vadd.f32 v15, v14;
	v12 =	vld [tilespmem:s24+$0xFFFFFFF0];
	v9 =	vadd.f32 v13, v9;
	v6 =	vmul.f32 $1.490116120e-08, v6  }
0x1a5: {  	v13 =	vld [tilespmem:s21+$0xFFFFFFF0];
	[tilespmem:s23+$0x0] =	vst v7  }
0x1a6: {  	v15 =	vld [tilespmem:s22+$0xFFFFFFF0];
	v7 =	vadd.f32 v9, v14;
	[tilespmem:s23+$0xFFFFFFE0] =	vst v6;
	s23 =	smov.u32 s26  }
.Ltmp7:
0x1a7: {  	v6 =	vadd.f32 v8, v11;
	v8 =	vld [tilespmem:s26+$0x0];
	(pc) =	sbr.rel @p0 .LBB2_15-.Ltmp7, $4  }
0x1a8: {  	v9 =	vld [tilespmem:s24+$0x0];
	v11 =	vmul.f32 $1.490116120e-08, v7  }
0x1a9: {  	v12 =	vadd.f32 v12, v10;
	v7 =	vld [tilespmem:s21+$0x0]  }
0x1aa: {  	s28 =	simm.s32 $0x0;
	v10 =	vld [tilespmem:s22+$0x0];
	[tilespmem:s26+$0x10] =	vst v11  }
0x1ab: {  	s26 =	sadd.s32 $0x40, s26;
	v11 =	vld [tilespmem:s23+$0xFFFFFFE0];
	v13 =	vadd.f32 v15, v13  }
0x1ac: {  	_ =	sdelay $0x2  }
0x1ad: {  	v8 =	vadd.f32 v9, v8;
	v7 =	vadd.f32 v10, v7  }
0x1ae: {  	v62 =	vadd.f32 v13, v12;
	v5 =	vadd.f32 v5, v11  }
0x1af: {  	v7 =	vadd.f32 v7, v8  }
0x1b0: {  	v63 =	vmul.f32 $1.490116120e-08, v62;
	v5 =	vadd.f32 v6, v5  }
0x1b1: {  	v6 =	vmul.f32 $1.490116120e-08, v7  }
0x1b2: {  	[tilespmem:s23+$0xFFFFFFF0] =	vst v63;
	v5 =	vmul.f32 $1.490116120e-08, v5  }
0x1b3: {  	[tilespmem:s23+$0x0] =	vst v6  }
0x1b4: {  	[tilespmem:s23+$0xFFFFFFE0] =	vst v5  }
.LBB2_17:
0x1b5: {  	s21 =	sshra.s32 s28, $0x2  }
0x1b6: {  	v5 =	vld [tilespmem:s21+$0x11000]  }
0x1b7: {  	v6 =	vld [tilespmem:s21+$0x12080]  }
0x1b8: {  	v7 =	vld [tilespmem:s21+$0x13100]  }
0x1b9: {  	v8 =	vld [tilespmem:s21+$0x14180];
	_ =	sdelay $0x4  }
0x1ba: {  	v5 =	vadd.f32 v6, v5;
	v6 =	vadd.f32 v8, v7  }
0x1bb: {  	p0 =	sne.s32 s28, $0x80  }
.Ltmp8:
0x1bc: {  	v5 =	vadd.f32 v6, v5;
	(pc) =	sbr.rel @p0 .LBB2_17-.Ltmp8, $3  }
0x1bd: {  	_ = 	snop  }
0x1be: {  	v5 =	vmul.f32 $1.490116120e-08, v5;
	_ =	sdelay $0x1  }
0x1bf: {  	s28 =	sadd.s32 $0x40, s28;
	[tilespmem:s21+$0x11000] =	vst v5  }
0x1c0: {  	s20 =	sadd.s32 $0x1, s20  }
0x1c1: {  	p0 =	sne.s32 s20, s9  }
.Ltmp9:
0x1c2: {  	_ = 	snop;
	(pc) =	sbr.rel @p0 .LBB2_1-.Ltmp9, $4  }
0x1c3: {  	[hbm4b:s8+s17] =	stream.strided.scatter [tilespmem:s12], [sflag:$0x3], $0x1080, s18, s17, $0x38;
	[tilespmem:$0x14200] =	vst v63  }
0x1c4: {  	_ =	swait.ge [sflag:s19], $0x1080  }
0x1c5: {  	[sflag:s19] =	ssyncset.done $0x0  }
0x1c6: {  	[sflag:s19] =	ssyncadd.s32 $0xFFFFEF80  }
0x1c7: {  	_ =	sfence.sel $0x180000  }
0x1c8: {  	[bflag:$0x0] =	sbarrier.arrive $0xFFFF  }
0x1c9: {  	p0 =	sne.s32 s2, $0x0;
	_ =	strace $0x9000004A  }
0x1ca: {  	s0 =	sadd.s32 @!p0 $0x100000, s1;
	[bflag:$0x2] =	sbarrier.arrive $0xFFFF  }
0x1cb: {  	[sflag:s0] =	ssyncadd.tile.s32 @!p0 $0x1;
	_ =	shalt  }
.Lfunc_end2:
_tile_overlayer_lowered:
.L_overlay_start_2:
0x1cc: {  	(tag) =	ssettag $0x2  }
0x1cd: {  	s0 =	rddreg [dreg:$0x0];
	s2 =	stileid.u32  }
0x1ce: {  	s1 =	rddreg [dreg:$0x1];
	p0 =	sne.s32 s2, $0x0  }
0x1cf: {  	s3 =	rddreg [dreg:$0x2];
	[bflag:$0x3] =	sbarrier.arrive $0xFFFF;
	s2 =	simm.s32 @!p0 $0x1C03  }
0x1d0: {  	[timem:s3], [sflag:s2] =	dma.local @!p0 [hbm:s0], s1  }
0x1d1: {  	s0 =	simm.s32 @!p0 $0x3  }
0x1d2: {  	_ =	swait.ge @!p0 [sflag:s0], s1  }
0x1d3: {  	s1 =	ssub.s32 @!p0 $0x0, s1;
	[sflag:s0] =	ssyncset.done @!p0 $0x0  }
0x1d4: {  	[sflag:s0] =	ssyncadd.s32 @!p0 s1  }
0x1d5: {  	[bflag:$0x3] =	sbarrier.arrive $0xFFFF  }
0x1d6: {  	_ =	shalt  }

// kernel: sparse-core-data-format-call.cloned.1.call-start
scs
called_computation_lowered:
.L_overlay_start_0:
0x0: {  	s2 =	sld [smem:$0x3FD9]  }
0x1: {  	s3 =	sld [smem:$0x3FFE];
	_ =	sdelay $0x1  }
0x2: {  	s1 =	srdreg.scid  }
0x3: {  	s0 =	sand.u32 $0x1, s1  }
0x4: {  	s16 =	sshll.u32 s0, $0xA;
	s2 =	sadd.s32 s3, s2  }
0x5: {  	s2 =	sadd.s32 s2, s16  }
0x6: {  	[smem:$0x3FC7] =	sst s2  }
0x7: {  	_ = 	snop  }
0x8: {  	s2 =	sld [smem:$0x3FD0];
	_ =	sdelay $0x2  }
0x9: {  	s4 =	simm.s32 $0xA;
	s5 =	simm.s32 $0x10;
	s17 =	sld [smem:$0x3FC9]  }
0xa: {  	[smem:s5], [sflag:s4] =	dma.local [hbm:s2], $0x1  }
0xb: {  	_ =	swait.eq [sflag:s4], $0x1  }
0xc: {  	[sflag:s4] =	ssyncset.done $0x0  }
0xd: {  	[sflag:s4] =	ssyncadd.s32 $0xFFFFFFFF  }
0xe: {  	s18 =	sld [smem:$0x10];
	(tm) =	ssettm $0x1  }
0xf: {  	s19 =	sld [smem:$0x3FFB];
	_ =	sdelay $0x3  }
0x10: {  	_ =	strace s19  }
0x11: {  	s4 =	sld [smem:$0x3FFC];
	_ =	sdelay $0x3  }
0x12: {  	_ =	strace s4  }
0x13: {  	s4 =	sld [smem:$0x3FFD];
	_ =	sdelay $0x3  }
0x14: {  	_ =	strace s4  }
0x15: {  	_ =	strace $0x8FFFFFFF  }
0x16: {  	s20 =	sld [smem:$0x3FDB];
	_ =	sdelay $0x1  }
0x17: {  	s21 =	simm.s32 $_scs_section_size  }
0x18: {  	s6 =	simm.s32 $_size__tile_overlayer_lowered;
	s7 =	simm.s32 $_tile_overlayer_lowered  }
0x19: {  	s24 =	simm.s32 $0x1BFF;
	s23 =	sshll.u32 s7, $0x1;
	s4 =	sadd.s32 s21, s20  }
0x1a: {  	s8 =	simm.s32 $0x0;
	s22 =	sshll.u32 s6, $0x1;
	s6 =	sadd.s32 s23, s4  }
0x1b: {  	[timem:s8], [sflag:s24] =	dma.local [hbm:s6], s22  }
0x1c: {  	_ =	swait.ge [sflag:s24], s22  }
0x1d: {  	s5 =	ssub.s32 $0x0, s22;
	[sflag:s24] =	ssyncset.done $0x0  }
0x1e: {  	[sflag:s24] =	ssyncadd.s32 s5;
	_ =	sdelay $0x1  }
0x1f: {  	s25 =	simm.s32 $0x1B8B  }
0x20: {  	_ =	swait.ge [sflag:s25], $0x1  }
0x21: {  	[sflag:s25] =	ssyncset.done $0x0  }
0x22: {  	s26 =	simm.s32 $0x1B8E;
	[sflag:s25] =	ssyncadd.s32 $0xFFFFFFFF  }
0x23: {  	s27 =	simm.s32 $execute0_lowered;
	[smem:$0x3FD2] =	sst s26  }
0x24: {  	s5 =	sshll.u32 s27, $0x1;
	_ =	strace $0x80000046;
	[dreg:$0x1] =	wrdreg $0xFFFFFFFF  }
0x25: {  	s28 =	simm.s32 $_size_execute0_lowered;
	s4 =	sadd.s32 s4, s5;
	[dreg:$0x0] =	wrdreg $0x0  }
0x26: {  	s5 =	sshll.u32 s28, $0x1;
	[dreg:$0x2] =	wrdreg s4  }
0x27: {  	[dreg:$0x3] =	wrdreg s5  }
0x28: {  	[dreg:$0x4] =	wrdreg $0xC0  }
0x29: {  	_ =	task [dreg:s8], $0x5FFFF  }
0x2a: {  	[dreg:$0x1] =	wrdreg $0xFFFFFFFF  }
0x2b: {  	[dreg:$0x0] =	wrdreg $0x60  }
0x2c: {  	[dreg:$0x2] =	wrdreg s17  }
0x2d: {  	[dreg:$0x3] =	wrdreg s18  }
0x2e: {  	[dreg:$0x4] =	wrdreg $0x9  }
0x2f: {  	_ =	task.clear_ibuf [dreg:s8], $0x5FFFF;
	_ =	strace $0x90000046  }
0x30: {  	s29 =	simm.s32 $0x9;
	_ =	strace $0x80000048  }
0x31: {  	_ =	swait.ge [sflag:s29], $0x1  }
0x32: {  	[sflag:s29] =	ssyncadd.s32 $0xFFFFFFFF  }
0x33: {  	_ =	strace $0x90000048  }
0x34: {  	_ =	sfence  }
0x35: {  	s30 =	sld [smem:$0x0];
	_ =	sdelay $0x2  }
0x36: {  	s31 =	sshll.u32 s1, $0xD;
	s1 =	sshrl.u32 s1, $0x2  }
0x37: {  	s3 =	sand.u32 $0x4000, s31;
	s1 =	sadd.s32 s1, s30  }
0x38: {  	s0 =	sor.u32 s3, s0;
	s1 =	sshll.u32 s1, $0x11  }
0x39: {  	s0 =	sor.u32 s1, s0  }
0x3a: {  	s0 =	sadd.s32 $0x8F2B, s0  }
0x3b: {  	[sflag:s0] =	ssyncadd.remote.s32 $0x1  }
0x3c: {  	_ =	sfence.sel $0xFFFF  }
0x3d: {  	[dreg:$0x0] =	wrdreg $0xFFFFFFFF;
	(pc) =	sbr.abs _section_cstart, $3  }
0x3e: {  	[dreg:$0x1] =	wrdreg $0xFFFFFFFF  }
0x3f: {  	_ =	task.clear_ibuf [dreg:s8], $0x2FFFF;
	_ =	strace $0x9FFFFFFF  }
0x40: {  	(tm) =	ssettm $0x7FFFFFFF  }
0x41: {  	_ =	shalt  }
tec
execute0_lowered:
.L_overlay_start_1:
0x0: {  	(tag) =	ssettag $0x1  }
0x1: {  	s2 =	rddreg [dreg:$0x0]  }
0x2: {  	s3 =	rddreg [dreg:$0x1]  }
0x3: {  	s0 =	rddreg [dreg:$0x2];
	s4 =	srdreg.scid  }
.Ltmp0:
0x4: {  	_ =	strace $0x80000047;
	s1 =	stileid.u32;
	(pc) =	sbr.rel .LBB1_1-.Ltmp0, $4  }
0x5: {  	s6 =	simm.s32 $0x2;
	p0 =	por $0x0, $0x0;
	s5 =	sshll.u32 s4, $0x4  }
0x6: {  	s9 =	simm.s32 $0x0;
	s4 =	simm.s32 $0x1;
	s5 =	sand.u32 $0x10, s5  }
0x7: {  	s7 =	simm.s32 $0x0;
	[sflag:s4] =	ssyncpa.u1 $0x0;
	s5 =	sor.u32 s1, s5  }
0x8: {  	[sflag:s6] =	ssyncpa.u1 $0x0;
	s6 =	simm.s32 $0x0;
	s8 =	smov.u32 s5  }
.LBB1_7:
0x9: {  	s11 =	sadd.s32 $0x20, s8  }
0xa: {  	p1 =	slt.u32 s7, $0x2;
	s7 =	sadd.s32 $0x1, s7;
	p2 =	sgt.s32 s11, $0xFFF  }
0xb: {  	s11 =	smov.u32 @p2 s5;
	p2 =	sne.s32 s7, $0x82  }
.Ltmp1:
0xc: {  	_ = 	snop;
	(pc) =	sbr.rel @!p2 .LBB1_8-.Ltmp1, $4  }
0xd: {  	s10 =	simm.s32 @!p1 $0x2  }
0xe: {  	_ =	swait.ge @!p1 [sflag:s10], $0x4000  }
0xf: {  	s9 =	smov.u32 s8;
	[sflag:s10] =	ssyncset.done @!p1 $0x0  }
0x10: {  	p0 =	por !p0, !p0;
	s8 =	smov.u32 s11;
	[sflag:s10] =	ssyncadd.s32 @!p1 $0xFFFFC000  }
.LBB1_1:
0x11: {  	p1 =	sgt.u32 s7, $0x7F  }
0x12: {  	s10 =	sxor.u32 @!p1 $0xFFFFFFFF, s7  }
0x13: {  	s11 =	sshll.u32 @!p1 s8, $0xB;
	s10 =	sshll.u32 @!p1 s10, $0xE  }
0x14: {  	s12 =	simm.s32 @!p1 $0x0;
	s11 =	sadd.s32 @!p1 s2, s11;
	s10 =	sand.u32 @!p1 $0x4000, s10  }
0x15: {  	[tilespmem:s10], [sflag:$0x1] =	stream.linear.gather @!p1 [hbm4b:s11+s12], $0x4000, $0x38;
	[tilespmem:$0x10000] =	vst v63  }
0x16: {  	p1 =	seq.s32 s7, $0x0  }
0x17: {  	p2 =	seq.s32 @!p1 s7, $0x81  }
0x18: {  	p1 =	por p1, p2  }
.Ltmp2:
0x19: {  	_ = 	snop;
	(pc) =	sbr.rel @p1 .LBB1_7-.Ltmp2, $1  }
0x1a: {  	_ =	sdelay $0x3  }
0x1b: {  	s10 =	simm.s32 $0x1;
	_ =	swait.ge [sflag:s4], $0x4000;
	s12 =	sshll.u32 s7, $0xE  }
0x1c: {  	s13 =	simm.s32 $0x0;
	s10 =	simm.s32 @!p0 $0x0;
	[sflag:s4] =	ssyncset.done $0x0  }
0x1d: {  	s12 =	sand.u32 $0x4000, s12;
	s11 =	sshll.u32 s10, $0xE;
	[sflag:s4] =	ssyncadd.s32 $0xFFFFC000  }
0x1e: {  	s12 =	sor.u32 $0x8000, s12;
	s10 =	sor.u32 $0x8040, s11;
	s11 =	sor.u32 $0x40, s11  }
.LBB1_3:
0x1f: {  	v0 =	vmov s11;
	_ =	sdelay $0x3  }
0x20: {  	s15 =	simm.s32 $0x0  }
0x21: {  	v6 =	vld.idx.msk [tilespmem:v0+s15+$0x30 ss:$0x1], $0xffff  }
0x22: {  	v7 =	vld.idx.msk [tilespmem:v0+s15+$0xFFFFFFC0 ss:$0x1], $0xffff  }
0x23: {  	v5 =	vld.idx.msk [tilespmem:v0+s15+$0xFFFFFFD0 ss:$0x1], $0xffff  }
0x24: {  	v4 =	vld.idx.msk [tilespmem:v0+s15+$0xFFFFFFE0 ss:$0x1], $0xffff  }
0x25: {  	v3 =	vld.idx.msk [tilespmem:v0+s15+$0xFFFFFFF0 ss:$0x1], $0xffff  }
0x26: {  	v1 =	vld.idx.msk [tilespmem:v0+s15+$0x0 ss:$0x1], $0xffff  }
0x27: {  	v2 =	vld.idx.msk [tilespmem:v0+s15+$0x10 ss:$0x1], $0xffff;
	[tilespmem:s10+$0x30] =	vst v6  }
0x28: {  	s14 =	simm.s32 $0x80;
	s16 =	simm.s32 $0x400;
	[tilespmem:s10+$0xFFFFFFC0] =	vst v7;
	v6 =	vld.idx.msk [tilespmem:v0+s15+$0x20 ss:$0x1], $0xffff;
	s15 =	smov.u32 s10  }
.LBB1_4:
0x29: {  	p1 =	sne.s32 s16, $0xE00;
	v7 =	vld.idx.msk [tilespmem:v0+s14+$0x30 ss:$0x1], $0xffff;
	[tilespmem:s15+$0xFFFFFFD0] =	vst v5  }
0x2a: {  	v8 =	vld.idx.msk [tilespmem:v0+s14+$0xFFFFFFC0 ss:$0x1], $0xffff;
	[tilespmem:s15+$0xFFFFFFE0] =	vst v4  }
0x2b: {  	v5 =	vld.idx.msk [tilespmem:v0+s14+$0xFFFFFFD0 ss:$0x1], $0xffff;
	[tilespmem:s15+$0xFFFFFFF0] =	vst v3  }
.Ltmp3:
0x2c: {  	v4 =	vld.idx.msk [tilespmem:v0+s14+$0xFFFFFFE0 ss:$0x1], $0xffff;
	[tilespmem:s15+$0x0] =	vst v1;
	(pc) =	sbr.rel @p1 .LBB1_4-.Ltmp3, $4  }
0x2d: {  	v3 =	vld.idx.msk [tilespmem:v0+s14+$0xFFFFFFF0 ss:$0x1], $0xffff;
	[tilespmem:s15+$0x10] =	vst v2  }
0x2e: {  	v1 =	vld.idx.msk [tilespmem:v0+s14+$0x0 ss:$0x1], $0xffff;
	[tilespmem:s15+$0x20] =	vst v6;
	s15 =	sadd.s32 $0x800, s15  }
0x2f: {  	v2 =	vld.idx.msk [tilespmem:v0+s14+$0x10 ss:$0x1], $0xffff;
	[tilespmem:s15+$0x30] =	vst v7  }
0x30: {  	[tilespmem:s15+$0xFFFFFFC0] =	vst v8;
	v6 =	vld.idx.msk [tilespmem:v0+s14+$0x20 ss:$0x1], $0xffff;
	s14 =	sshra.s32 s16, $0x2;
	s16 =	sadd.s32 $0x200, s16  }
0x31: {  	_ =	sdelay $0x2  }
0x32: {  	[tilespmem:s15+$0xFFFFFFD0] =	vst v5  }
0x33: {  	v56 =	vld.idx.msk [tilespmem:v0+s14+$0x30 ss:$0x1], $0xffff;
	[tilespmem:s15+$0xFFFFFFE0] =	vst v4  }
0x34: {  	v57 =	vld.idx.msk [tilespmem:v0+s14+$0xFFFFFFC0 ss:$0x1], $0xffff;
	[tilespmem:s15+$0xFFFFFFF0] =	vst v3  }
0x35: {  	v58 =	vld.idx.msk [tilespmem:v0+s14+$0xFFFFFFD0 ss:$0x1], $0xffff;
	[tilespmem:s15+$0x0] =	vst v1  }
0x36: {  	v59 =	vld.idx.msk [tilespmem:v0+s14+$0xFFFFFFE0 ss:$0x1], $0xffff;
	[tilespmem:s15+$0x10] =	vst v2  }
0x37: {  	v60 =	vld.idx.msk [tilespmem:v0+s14+$0xFFFFFFF0 ss:$0x1], $0xffff;
	s31 =	sadd.s32 $0x800, s15;
	[tilespmem:s15+$0x20] =	vst v6  }
0x38: {  	v61 =	vld.idx.msk [tilespmem:v0+s14+$0x0 ss:$0x1], $0xffff;
	[tilespmem:s31+$0x30] =	vst v56  }
0x39: {  	v62 =	vld.idx.msk [tilespmem:v0+s14+$0x10 ss:$0x1], $0xffff;
	s13 =	sadd.s32 $0x1, s13;
	[tilespmem:s31+$0xFFFFFFC0] =	vst v57  }
0x3a: {  	v63 =	vld.idx.msk [tilespmem:v0+s14+$0x20 ss:$0x1], $0xffff;
	p1 =	sne.s32 s13, $0x10;
	[tilespmem:s31+$0xFFFFFFD0] =	vst v58  }
.Ltmp4:
0x3b: {  	[tilespmem:s31+$0xFFFFFFE0] =	vst v59;
	(pc) =	sbr.rel @p1 .LBB1_3-.Ltmp4, $4  }
0x3c: {  	[tilespmem:s31+$0xFFFFFFF0] =	vst v60  }
0x3d: {  	[tilespmem:s31+$0x0] =	vst v61  }
0x3e: {  	[tilespmem:s31+$0x10] =	vst v62  }
0x3f: {  	s10 =	sadd.s32 $0x80, s10;
	s11 =	sadd.s32 $0x400, s11;
	[tilespmem:s31+$0x20] =	vst v63  }
.Ltmp5:
0x40: {  	(pc) =	sbr.rel .LBB1_7-.Ltmp5, $4  }
0x41: {  	_ = 	snop  }
0x42: {  	s9 =	sshll.u32 s9, $0xB  }
0x43: {  	s9 =	sadd.s32 s3, s9  }
0x44: {  	[hbm4b:s9+s6] =	stream.linear.scatter [tilespmem:s12], [sflag:$0x2], $0x4000, $0x38;
	[tilespmem:$0x10000] =	vst v63  }
.LBB1_8:
0x45: {  	_ =	sfence.sel $0x180000  }
0x46: {  	s2 =	simm.s32 $0x1;
	[bflag:$0x0] =	sbarrier.arrive $0xFFFF  }
0x47: {  	s31 =	simm.s32 $0x2;
	[sflag:s2] =	ssyncpa.u1 $0x1  }
0x48: {  	[sflag:s31] =	ssyncpa.u1 $0x1  }
0x49: {  	p0 =	sne.s32 s1, $0x0;
	_ =	strace $0x90000047  }
0x4a: {  	s0 =	sadd.s32 @!p0 $0x100000, s0;
	[bflag:$0x2] =	sbarrier.arrive $0xFFFF  }
0x4b: {  	[sflag:s0] =	ssyncadd.tile.s32 @!p0 $0x1;
	_ =	shalt  }
.Lfunc_end1:
_tile_overlayer_lowered:
.L_overlay_start_2:
0x4c: {  	(tag) =	ssettag $0x2  }
0x4d: {  	s0 =	rddreg [dreg:$0x0];
	s2 =	stileid.u32  }
0x4e: {  	s1 =	rddreg [dreg:$0x1];
	p0 =	sne.s32 s2, $0x0  }
0x4f: {  	s3 =	rddreg [dreg:$0x2];
	[bflag:$0x3] =	sbarrier.arrive $0xFFFF;
	s2 =	simm.s32 @!p0 $0x1C01  }
0x50: {  	[timem:s3], [sflag:s2] =	dma.local @!p0 [hbm:s0], s1  }
0x51: {  	s0 =	simm.s32 @!p0 $0x1  }
0x52: {  	_ =	swait.ge @!p0 [sflag:s0], s1  }
0x53: {  	s1 =	ssub.s32 @!p0 $0x0, s1;
	[sflag:s0] =	ssyncset.done @!p0 $0x0  }
0x54: {  	[sflag:s0] =	ssyncadd.s32 @!p0 s1  }
0x55: {  	[bflag:$0x3] =	sbarrier.arrive $0xFFFF  }
0x56: {  	_ =	shalt  }

</sc_bundles>
